<compile_context>
chip_gen: v7x
topology: tpu7x:2x2x1
jax: 0.10.2.dev20260603
libtpu: 0.0.44.dev20260713+nightly
codegen_flags: <defaults>
</compile_context>

<pallas_src>
import jax
import jax.numpy as jnp
from jax import lax
from jax.experimental import pallas as pl
from jax.experimental.pallas import tpu as pltpu
from jax.experimental.pallas import tpu_sc as plsc

D = 64
V = 1000000
NC = 2
NS = 16
NW = NC * NS
NF = 26
BATCH = 16384
CH = 128
NROWS = NF * BATCH // CH
RPW = NROWS // NW
NB = 4

_MESH = dict(
    mesh=plsc.VectorSubcoreMesh(core_axis_name="c", subcore_axis_name="s"),
    compiler_params=pltpu.CompilerParams(needs_layout_passes=False),
)


def _gather_body(idx_hbm, table_hbm, out_hbm, idx_v, rows_v, gsem, osem):
    wid = lax.axis_index("s") * NC + lax.axis_index("c")
    r0 = RPW * wid
    pltpu.sync_copy(idx_hbm.at[pl.ds(pl.multiple_of(r0, 8), RPW)], idx_v)

    def gather(u, s):
        pltpu.async_copy(table_hbm.at[idx_v.at[u]], rows_v.at[s], gsem.at[s])

    def wait_gather(s):
        pltpu.make_async_copy(
            table_hbm.at[idx_v.at[0]], rows_v.at[s], gsem.at[s]).wait()

    def put(u, s):
        pltpu.async_copy(rows_v.at[s], out_hbm.at[r0 + u], osem.at[s])

    def wait_put(s):
        pltpu.make_async_copy(rows_v.at[s], out_hbm.at[0], osem.at[s]).wait()

    for s in range(NB):
        gather(s, s)

    @pl.loop(0, RPW - NB, step=NB)
    def _(u0):
        for s in range(NB):
            u = u0 + s
            wait_gather(s)
            put(u, s)
            wait_put(s)
            gather(u + NB, s)

    for s in range(NB):
        u = RPW - NB + s
        wait_gather(s)
        put(u, s)
    for s in range(NB):
        wait_put(s)


def kernel(idx, weight):
    w128 = jnp.pad(weight, ((0, 0), (0, 128 - D)))
    idxr = idx.T.reshape(NROWS, CH).astype(jnp.int32)
    gather = pl.kernel(
        _gather_body,
        out_type=jax.ShapeDtypeStruct((NROWS, CH, 128), jnp.float32),
        scratch_types=[
            pltpu.VMEM((RPW, CH), jnp.int32),
            pltpu.VMEM((NB, CH, 128), jnp.float32),
            pltpu.SemaphoreType.DMA((NB,)),
            pltpu.SemaphoreType.DMA((NB,)),
        ],
        **_MESH,
    )
    out3 = gather(idxr, w128)
    out = out3.reshape(NF, BATCH, 128)[:, :, :D]
    return out.transpose(1, 0, 2)

# --- scband reference (transcript-rebuilt; emitter-appended) ---
"""Pipeline reference for scband-embedding-68831145886166 (READ-ONLY COPY).

The authoritative reference and input builder live on the scoring server;
editing this copy changes nothing except your own understanding.
"""

import jax, jax.numpy as jnp
import numpy as np

NUM_EMBEDDINGS = 1000000
EMBEDDING_DIM = 64
BATCH = 16384
N_FIELDS = 26


def setup_inputs(seed: int = 0) -> dict:
    key = jax.random.key(seed)
    k_idx, k_w = jax.random.split(key)
    idx = jax.random.randint(k_idx, (BATCH, N_FIELDS), 0, NUM_EMBEDDINGS, dtype=jnp.int64) if jax.config.read('jax_enable_x64') else jax.random.randint(k_idx, (BATCH, N_FIELDS), 0, NUM_EMBEDDINGS)
    weight = jax.random.normal(k_w, (NUM_EMBEDDINGS, EMBEDDING_DIM), dtype=jnp.float32)
    return {"idx": idx, "weight": weight}


def reference(idx, weight):
    # Faithful translation of Embedding.__call__: gather rows then cast to dtype.
    return jnp.take(weight, idx, axis=0).astype(jnp.float32)

if __name__ == "__main__":
    import jax
    _d = setup_inputs()
    print(jax.jit(kernel)(*tuple(_d.values())))

</pallas_src>

<mosaic_0001>
#map = affine_map<(d0, d1) -> (0, 0)>
#map1 = affine_map<(d0, d1) -> (0, 0, 0)>
module attributes {stable_mosaic.version = 14 : i64} {
  func.func @_gather_body(%arg0: i32, %arg1: i32, %arg2: memref<3328x128xi32, #tpu.memory_space<hbm>>, %arg3: memref<1000000x128xf32, #tpu.memory_space<hbm>>, %arg4: memref<3328x128x128xf32, #tpu.memory_space<hbm>>, %arg5: memref<104x128xi32, #tpu.memory_space<vmem>>, %arg6: memref<4x128x128xf32, #tpu.memory_space<vmem>>, %arg7: memref<4x!tpu.dma_semaphore, #tpu.memory_space<semaphore_mem>>, %arg8: memref<4x!tpu.dma_semaphore, #tpu.memory_space<semaphore_mem>>) attributes {dimension_semantics = [#tpu.dimension_semantics<core_parallel>, #tpu.dimension_semantics<subcore_parallel>], iteration_bounds = array<i64: 2, 16>, scalar_prefetch = 0 : i64, scratch_operands = 4 : i64, tpu.core_type = #tpu.core_type<sc_vector_subcore>, window_params = [{transform_indices = #map}, {transform_indices = #map}, {transform_indices = #map1}]} {
    %mul3A = arith.constant 2 : i32
    %mul3A_0 = arith.muli %arg1, %mul3A : i32
    %add3A = arith.addi %mul3A_0, %arg0 : i32
    %mul3A_1 = arith.constant 104 : i32
    %mul3A_2 = arith.muli %mul3A_1, %add3A : i32
    %multiple_of3A = tpu.assume_multiple %mul3A_2, 8 : i32
    "tpu.region"() ({
      %run_scoped3A = tpu.sem_alloc : memref<!tpu.dma_semaphore, #tpu.memory_space<semaphore_mem>>
      %dma_start3A_297 = arith.constant 0 : i32
      %dma_start3A_298 = tpu.memref_slice %arg2[%multiple_of3A, %dma_start3A_297] : memref<3328x128xi32, #tpu.memory_space<hbm>> -> memref<104x128xi32, #tpu.memory_space<hbm>>
      %dma_start3A_299 = arith.constant 0 : i32
      %dma_start3A_300 = tpu.memref_slice %arg2[%multiple_of3A, %dma_start3A_299] : memref<3328x128xi32, #tpu.memory_space<hbm>> -> memref<104x128xi32, #tpu.memory_space<hbm>>
      tpu.enqueue_dma source(%dma_start3A_300 : memref<104x128xi32, #tpu.memory_space<hbm>>) target(%arg5 : memref<104x128xi32, #tpu.memory_space<vmem>>) target_semaphore(%run_scoped3A : memref<!tpu.dma_semaphore, #tpu.memory_space<semaphore_mem>>)
      %dma_wait3A_301 = arith.constant 0 : i32
      %dma_wait3A_302 = tpu.memref_slice %arg2[%multiple_of3A, %dma_wait3A_301] : memref<3328x128xi32, #tpu.memory_space<hbm>> -> memref<104x128xi32, #tpu.memory_space<hbm>>
      %dma_wait3A_303 = arith.constant 0 : i32
      %dma_wait3A_304 = tpu.memref_slice %arg2[%multiple_of3A, %dma_wait3A_303] : memref<3328x128xi32, #tpu.memory_space<hbm>> -> memref<104x128xi32, #tpu.memory_space<hbm>>
      tpu.wait_dma2 semaphore(%run_scoped3A : memref<!tpu.dma_semaphore, #tpu.memory_space<semaphore_mem>>) src(%dma_wait3A_304 : memref<104x128xi32, #tpu.memory_space<hbm>>) dst(%arg5 : memref<104x128xi32, #tpu.memory_space<vmem>>)
      tpu.yield
    }) : () -> ()
    %dma_start3A = arith.constant 0 : i32
    %dma_start3A_3 = arith.constant 0 : i32
    %dma_start3A_4 = arith.constant 0 : i32
    %dma_start3A_5 = arith.constant 0 : i32
    %dma_start3A_6 = arith.constant 0 : i32
    %dma_start3A_7 = tpu.memref_slice %arg6[%dma_start3A_3, %dma_start3A_5, %dma_start3A_6] : memref<4x128x128xf32, #tpu.memory_space<vmem>> -> memref<1x128x128xf32, #tpu.memory_space<vmem>>
    %dma_start3A_8 = tpu.memref_squeeze %dma_start3A_7 : memref<1x128x128xf32, #tpu.memory_space<vmem>> -> memref<128x128xf32, #tpu.memory_space<vmem>>
    %dma_start3A_9 = arith.constant 0 : i32
    %dma_start3A_10 = tpu.memref_slice %arg5[%dma_start3A, %dma_start3A_9] : memref<104x128xi32, #tpu.memory_space<vmem>> -> memref<1x128xi32, #tpu.memory_space<vmem>>
    %dma_start3A_11 = tpu.memref_squeeze %dma_start3A_10 : memref<1x128xi32, #tpu.memory_space<vmem>> -> memref<128xi32, #tpu.memory_space<vmem>>
    %dma_start3A_12 = arith.constant 0 : i32
    %dma_start3A_13 = arith.constant 0 : i32
    %dma_start3A_14 = tpu.memref_slice %arg3[%dma_start3A_12, %dma_start3A_13] : memref<1000000x128xf32, #tpu.memory_space<hbm>> -> memref<1000000x128xf32, #tpu.memory_space<hbm>>
    %dma_start3A_15 = tpu.memref_slice %arg7[%dma_start3A_4] : memref<4x!tpu.dma_semaphore, #tpu.memory_space<semaphore_mem>> -> memref<1x!tpu.dma_semaphore, #tpu.memory_space<semaphore_mem>>
    %dma_start3A_16 = tpu.memref_squeeze %dma_start3A_15 : memref<1x!tpu.dma_semaphore, #tpu.memory_space<semaphore_mem>> -> memref<!tpu.dma_semaphore, #tpu.memory_space<semaphore_mem>>
    tpu.enqueue_indirect_dma source(%dma_start3A_14 : memref<1000000x128xf32, #tpu.memory_space<hbm>>) target(%dma_start3A_8 : memref<128x128xf32, #tpu.memory_space<vmem>>) offsets(%dma_start3A_11 : memref<128xi32, #tpu.memory_space<vmem>>) semaphore(%dma_start3A_16 : memref<!tpu.dma_semaphore, #tpu.memory_space<semaphore_mem>>)
    %dma_start3A_17 = arith.constant 1 : i32
    %dma_start3A_18 = arith.constant 1 : i32
    %dma_start3A_19 = arith.constant 1 : i32
    %dma_start3A_20 = arith.constant 0 : i32
    %dma_start3A_21 = arith.constant 0 : i32
    %dma_start3A_22 = tpu.memref_slice %arg6[%dma_start3A_18, %dma_start3A_20, %dma_start3A_21] : memref<4x128x128xf32, #tpu.memory_space<vmem>> -> memref<1x128x128xf32, #tpu.memory_space<vmem>>
    %dma_start3A_23 = tpu.memref_squeeze %dma_start3A_22 : memref<1x128x128xf32, #tpu.memory_space<vmem>> -> memref<128x128xf32, #tpu.memory_space<vmem>>
    %dma_start3A_24 = arith.constant 0 : i32
    %dma_start3A_25 = tpu.memref_slice %arg5[%dma_start3A_17, %dma_start3A_24] : memref<104x128xi32, #tpu.memory_space<vmem>> -> memref<1x128xi32, #tpu.memory_space<vmem>>
    %dma_start3A_26 = tpu.memref_squeeze %dma_start3A_25 : memref<1x128xi32, #tpu.memory_space<vmem>> -> memref<128xi32, #tpu.memory_space<vmem>>
    %dma_start3A_27 = arith.constant 0 : i32
    %dma_start3A_28 = arith.constant 0 : i32
    %dma_start3A_29 = tpu.memref_slice %arg3[%dma_start3A_27, %dma_start3A_28] : memref<1000000x128xf32, #tpu.memory_space<hbm>> -> memref<1000000x128xf32, #tpu.memory_space<hbm>>
    %dma_start3A_30 = tpu.memref_slice %arg7[%dma_start3A_19] : memref<4x!tpu.dma_semaphore, #tpu.memory_space<semaphore_mem>> -> memref<1x!tpu.dma_semaphore, #tpu.memory_space<semaphore_mem>>
    %dma_start3A_31 = tpu.memref_squeeze %dma_start3A_30 : memref<1x!tpu.dma_semaphore, #tpu.memory_space<semaphore_mem>> -> memref<!tpu.dma_semaphore, #tpu.memory_space<semaphore_mem>>
    tpu.enqueue_indirect_dma source(%dma_start3A_29 : memref<1000000x128xf32, #tpu.memory_space<hbm>>) target(%dma_start3A_23 : memref<128x128xf32, #tpu.memory_space<vmem>>) offsets(%dma_start3A_26 : memref<128xi32, #tpu.memory_space<vmem>>) semaphore(%dma_start3A_31 : memref<!tpu.dma_semaphore, #tpu.memory_space<semaphore_mem>>)
    %dma_start3A_32 = arith.constant 2 : i32
    %dma_start3A_33 = arith.constant 2 : i32
    %dma_start3A_34 = arith.constant 2 : i32
    %dma_start3A_35 = arith.constant 0 : i32
    %dma_start3A_36 = arith.constant 0 : i32
    %dma_start3A_37 = tpu.memref_slice %arg6[%dma_start3A_33, %dma_start3A_35, %dma_start3A_36] : memref<4x128x128xf32, #tpu.memory_space<vmem>> -> memref<1x128x128xf32, #tpu.memory_space<vmem>>
    %dma_start3A_38 = tpu.memref_squeeze %dma_start3A_37 : memref<1x128x128xf32, #tpu.memory_space<vmem>> -> memref<128x128xf32, #tpu.memory_space<vmem>>
    %dma_start3A_39 = arith.constant 0 : i32
    %dma_start3A_40 = tpu.memref_slice %arg5[%dma_start3A_32, %dma_start3A_39] : memref<104x128xi32, #tpu.memory_space<vmem>> -> memref<1x128xi32, #tpu.memory_space<vmem>>
    %dma_start3A_41 = tpu.memref_squeeze %dma_start3A_40 : memref<1x128xi32, #tpu.memory_space<vmem>> -> memref<128xi32, #tpu.memory_space<vmem>>
    %dma_start3A_42 = arith.constant 0 : i32
    %dma_start3A_43 = arith.constant 0 : i32
    %dma_start3A_44 = tpu.memref_slice %arg3[%dma_start3A_42, %dma_start3A_43] : memref<1000000x128xf32, #tpu.memory_space<hbm>> -> memref<1000000x128xf32, #tpu.memory_space<hbm>>
    %dma_start3A_45 = tpu.memref_slice %arg7[%dma_start3A_34] : memref<4x!tpu.dma_semaphore, #tpu.memory_space<semaphore_mem>> -> memref<1x!tpu.dma_semaphore, #tpu.memory_space<semaphore_mem>>
    %dma_start3A_46 = tpu.memref_squeeze %dma_start3A_45 : memref<1x!tpu.dma_semaphore, #tpu.memory_space<semaphore_mem>> -> memref<!tpu.dma_semaphore, #tpu.memory_space<semaphore_mem>>
    tpu.enqueue_indirect_dma source(%dma_start3A_44 : memref<1000000x128xf32, #tpu.memory_space<hbm>>) target(%dma_start3A_38 : memref<128x128xf32, #tpu.memory_space<vmem>>) offsets(%dma_start3A_41 : memref<128xi32, #tpu.memory_space<vmem>>) semaphore(%dma_start3A_46 : memref<!tpu.dma_semaphore, #tpu.memory_space<semaphore_mem>>)
    %dma_start3A_47 = arith.constant 3 : i32
    %dma_start3A_48 = arith.constant 3 : i32
    %dma_start3A_49 = arith.constant 3 : i32
    %dma_start3A_50 = arith.constant 0 : i32
    %dma_start3A_51 = arith.constant 0 : i32
    %dma_start3A_52 = tpu.memref_slice %arg6[%dma_start3A_48, %dma_start3A_50, %dma_start3A_51] : memref<4x128x128xf32, #tpu.memory_space<vmem>> -> memref<1x128x128xf32, #tpu.memory_space<vmem>>
    %dma_start3A_53 = tpu.memref_squeeze %dma_start3A_52 : memref<1x128x128xf32, #tpu.memory_space<vmem>> -> memref<128x128xf32, #tpu.memory_space<vmem>>
    %dma_start3A_54 = arith.constant 0 : i32
    %dma_start3A_55 = tpu.memref_slice %arg5[%dma_start3A_47, %dma_start3A_54] : memref<104x128xi32, #tpu.memory_space<vmem>> -> memref<1x128xi32, #tpu.memory_space<vmem>>
    %dma_start3A_56 = tpu.memref_squeeze %dma_start3A_55 : memref<1x128xi32, #tpu.memory_space<vmem>> -> memref<128xi32, #tpu.memory_space<vmem>>
    %dma_start3A_57 = arith.constant 0 : i32
    %dma_start3A_58 = arith.constant 0 : i32
    %dma_start3A_59 = tpu.memref_slice %arg3[%dma_start3A_57, %dma_start3A_58] : memref<1000000x128xf32, #tpu.memory_space<hbm>> -> memref<1000000x128xf32, #tpu.memory_space<hbm>>
    %dma_start3A_60 = tpu.memref_slice %arg7[%dma_start3A_49] : memref<4x!tpu.dma_semaphore, #tpu.memory_space<semaphore_mem>> -> memref<1x!tpu.dma_semaphore, #tpu.memory_space<semaphore_mem>>
    %dma_start3A_61 = tpu.memref_squeeze %dma_start3A_60 : memref<1x!tpu.dma_semaphore, #tpu.memory_space<semaphore_mem>> -> memref<!tpu.dma_semaphore, #tpu.memory_space<semaphore_mem>>
    tpu.enqueue_indirect_dma source(%dma_start3A_59 : memref<1000000x128xf32, #tpu.memory_space<hbm>>) target(%dma_start3A_53 : memref<128x128xf32, #tpu.memory_space<vmem>>) offsets(%dma_start3A_56 : memref<128xi32, #tpu.memory_space<vmem>>) semaphore(%dma_start3A_61 : memref<!tpu.dma_semaphore, #tpu.memory_space<semaphore_mem>>)
    %scan3A = arith.constant 0 : i32
    %scan3A_62 = arith.constant 25 : i32
    %scan3A_63 = arith.addi %scan3A, %scan3A_62 : i32
    %scan3A_64 = arith.constant 1 : i32
    scf.for %scan3A_297 = %scan3A to %scan3A_63 step %scan3A_64  : i32 {
      %mul3A_298 = arith.constant 4 : i32
      %mul3A_299 = arith.muli %scan3A_297, %mul3A_298 : i32
      %add3A_300 = arith.constant 0 : i32
      %add3A_301 = arith.addi %add3A_300, %mul3A_299 : i32
      %add3A_302 = arith.constant 0 : i32
      %add3A_303 = arith.addi %add3A_301, %add3A_302 : i32
      %dma_wait3A_304 = arith.constant 0 : i32
      %dma_wait3A_305 = arith.constant 0 : i32
      %dma_wait3A_306 = arith.constant 0 : i32
      %dma_wait3A_307 = arith.constant 0 : i32
      %dma_wait3A_308 = arith.constant 0 : i32
      %dma_wait3A_309 = tpu.memref_slice %arg6[%dma_wait3A_305, %dma_wait3A_307, %dma_wait3A_308] : memref<4x128x128xf32, #tpu.memory_space<vmem>> -> memref<1x128x128xf32, #tpu.memory_space<vmem>>
      %dma_wait3A_310 = tpu.memref_squeeze %dma_wait3A_309 : memref<1x128x128xf32, #tpu.memory_space<vmem>> -> memref<128x128xf32, #tpu.memory_space<vmem>>
      %dma_wait3A_311 = arith.constant 0 : i32
      %dma_wait3A_312 = tpu.memref_slice %arg5[%dma_wait3A_304, %dma_wait3A_311] : memref<104x128xi32, #tpu.memory_space<vmem>> -> memref<1x128xi32, #tpu.memory_space<vmem>>
      %dma_wait3A_313 = tpu.memref_squeeze %dma_wait3A_312 : memref<1x128xi32, #tpu.memory_space<vmem>> -> memref<128xi32, #tpu.memory_space<vmem>>
      %dma_wait3A_314 = arith.constant 0 : i32
      %dma_wait3A_315 = arith.constant 0 : i32
      %dma_wait3A_316 = tpu.memref_slice %arg3[%dma_wait3A_314, %dma_wait3A_315] : memref<1000000x128xf32, #tpu.memory_space<hbm>> -> memref<1000000x128xf32, #tpu.memory_space<hbm>>
      %dma_wait3A_317 = tpu.memref_slice %arg7[%dma_wait3A_306] : memref<4x!tpu.dma_semaphore, #tpu.memory_space<semaphore_mem>> -> memref<1x!tpu.dma_semaphore, #tpu.memory_space<semaphore_mem>>
      %dma_wait3A_318 = tpu.memref_squeeze %dma_wait3A_317 : memref<1x!tpu.dma_semaphore, #tpu.memory_space<semaphore_mem>> -> memref<!tpu.dma_semaphore, #tpu.memory_space<semaphore_mem>>
      tpu.wait_indirect_dma semaphore(%dma_wait3A_318 : memref<!tpu.dma_semaphore, #tpu.memory_space<semaphore_mem>>) src(%dma_wait3A_316 : memref<1000000x128xf32, #tpu.memory_space<hbm>>) dst(%dma_wait3A_310 : memref<128x128xf32, #tpu.memory_space<vmem>>)
      %add3A_319 = arith.addi %mul3A_2, %add3A_303 : i32
      %dma_start3A_320 = arith.constant 0 : i32
      %dma_start3A_321 = arith.constant 0 : i32
      %dma_start3A_322 = arith.constant 0 : i32
      %dma_start3A_323 = arith.constant 0 : i32
      %dma_start3A_324 = tpu.memref_slice %arg6[%dma_start3A_320, %dma_start3A_322, %dma_start3A_323] : memref<4x128x128xf32, #tpu.memory_space<vmem>> -> memref<1x128x128xf32, #tpu.memory_space<vmem>>
      %dma_start3A_325 = tpu.memref_squeeze %dma_start3A_324 : memref<1x128x128xf32, #tpu.memory_space<vmem>> -> memref<128x128xf32, #tpu.memory_space<vmem>>
      %dma_start3A_326 = arith.constant 0 : i32
      %dma_start3A_327 = arith.constant 0 : i32
      %dma_start3A_328 = tpu.memref_slice %arg4[%add3A_319, %dma_start3A_326, %dma_start3A_327] : memref<3328x128x128xf32, #tpu.memory_space<hbm>> -> memref<1x128x128xf32, #tpu.memory_space<hbm>>
      %dma_start3A_329 = tpu.memref_squeeze %dma_start3A_328 : memref<1x128x128xf32, #tpu.memory_space<hbm>> -> memref<128x128xf32, #tpu.memory_space<hbm>>
      %dma_start3A_330 = tpu.memref_slice %arg8[%dma_start3A_321] : memref<4x!tpu.dma_semaphore, #tpu.memory_space<semaphore_mem>> -> memref<1x!tpu.dma_semaphore, #tpu.memory_space<semaphore_mem>>
      %dma_start3A_331 = tpu.memref_squeeze %dma_start3A_330 : memref<1x!tpu.dma_semaphore, #tpu.memory_space<semaphore_mem>> -> memref<!tpu.dma_semaphore, #tpu.memory_space<semaphore_mem>>
      %dma_start3A_332 = arith.constant 0 : i32
      %dma_start3A_333 = arith.constant 0 : i32
      %dma_start3A_334 = tpu.memref_slice %arg4[%add3A_319, %dma_start3A_332, %dma_start3A_333] : memref<3328x128x128xf32, #tpu.memory_space<hbm>> -> memref<1x128x128xf32, #tpu.memory_space<hbm>>
      %dma_start3A_335 = tpu.memref_squeeze %dma_start3A_334 : memref<1x128x128xf32, #tpu.memory_space<hbm>> -> memref<128x128xf32, #tpu.memory_space<hbm>>
      %dma_start3A_336 = arith.constant 0 : i32
      %dma_start3A_337 = arith.constant 0 : i32
      %dma_start3A_338 = tpu.memref_slice %arg6[%dma_start3A_320, %dma_start3A_336, %dma_start3A_337] : memref<4x128x128xf32, #tpu.memory_space<vmem>> -> memref<1x128x128xf32, #tpu.memory_space<vmem>>
      %dma_start3A_339 = tpu.memref_squeeze %dma_start3A_338 : memref<1x128x128xf32, #tpu.memory_space<vmem>> -> memref<128x128xf32, #tpu.memory_space<vmem>>
      tpu.enqueue_dma source(%dma_start3A_339 : memref<128x128xf32, #tpu.memory_space<vmem>>) target(%dma_start3A_335 : memref<128x128xf32, #tpu.memory_space<hbm>>) target_semaphore(%dma_start3A_331 : memref<!tpu.dma_semaphore, #tpu.memory_space<semaphore_mem>>)
      %dma_wait3A_340 = arith.constant 0 : i32
      %dma_wait3A_341 = arith.constant 0 : i32
      %dma_wait3A_342 = arith.constant 0 : i32
      %dma_wait3A_343 = arith.constant 0 : i32
      %dma_wait3A_344 = arith.constant 0 : i32
      %dma_wait3A_345 = tpu.memref_slice %arg6[%dma_wait3A_340, %dma_wait3A_343, %dma_wait3A_344] : memref<4x128x128xf32, #tpu.memory_space<vmem>> -> memref<1x128x128xf32, #tpu.memory_space<vmem>>
      %dma_wait3A_346 = tpu.memref_squeeze %dma_wait3A_345 : memref<1x128x128xf32, #tpu.memory_space<vmem>> -> memref<128x128xf32, #tpu.memory_space<vmem>>
      %dma_wait3A_347 = arith.constant 0 : i32
      %dma_wait3A_348 = arith.constant 0 : i32
      %dma_wait3A_349 = tpu.memref_slice %arg4[%dma_wait3A_341, %dma_wait3A_347, %dma_wait3A_348] : memref<3328x128x128xf32, #tpu.memory_space<hbm>> -> memref<1x128x128xf32, #tpu.memory_space<hbm>>
      %dma_wait3A_350 = tpu.memref_squeeze %dma_wait3A_349 : memref<1x128x128xf32, #tpu.memory_space<hbm>> -> memref<128x128xf32, #tpu.memory_space<hbm>>
      %dma_wait3A_351 = tpu.memref_slice %arg8[%dma_wait3A_342] : memref<4x!tpu.dma_semaphore, #tpu.memory_space<semaphore_mem>> -> memref<1x!tpu.dma_semaphore, #tpu.memory_space<semaphore_mem>>
      %dma_wait3A_352 = tpu.memref_squeeze %dma_wait3A_351 : memref<1x!tpu.dma_semaphore, #tpu.memory_space<semaphore_mem>> -> memref<!tpu.dma_semaphore, #tpu.memory_space<semaphore_mem>>
      %dma_wait3A_353 = arith.constant 0 : i32
      %dma_wait3A_354 = arith.constant 0 : i32
      %dma_wait3A_355 = tpu.memref_slice %arg4[%dma_wait3A_341, %dma_wait3A_353, %dma_wait3A_354] : memref<3328x128x128xf32, #tpu.memory_space<hbm>> -> memref<1x128x128xf32, #tpu.memory_space<hbm>>
      %dma_wait3A_356 = tpu.memref_squeeze %dma_wait3A_355 : memref<1x128x128xf32, #tpu.memory_space<hbm>> -> memref<128x128xf32, #tpu.memory_space<hbm>>
      %dma_wait3A_357 = arith.constant 0 : i32
      %dma_wait3A_358 = arith.constant 0 : i32
      %dma_wait3A_359 = tpu.memref_slice %arg6[%dma_wait3A_340, %dma_wait3A_357, %dma_wait3A_358] : memref<4x128x128xf32, #tpu.memory_space<vmem>> -> memref<1x128x128xf32, #tpu.memory_space<vmem>>
      %dma_wait3A_360 = tpu.memref_squeeze %dma_wait3A_359 : memref<1x128x128xf32, #tpu.memory_space<vmem>> -> memref<128x128xf32, #tpu.memory_space<vmem>>
      tpu.wait_dma2 semaphore(%dma_wait3A_352 : memref<!tpu.dma_semaphore, #tpu.memory_space<semaphore_mem>>) src(%dma_wait3A_360 : memref<128x128xf32, #tpu.memory_space<vmem>>) dst(%dma_wait3A_356 : memref<128x128xf32, #tpu.memory_space<hbm>>)
      %add3A_361 = arith.constant 4 : i32
      %add3A_362 = arith.addi %add3A_303, %add3A_361 : i32
      %dma_start3A_363 = arith.constant 0 : i32
      %dma_start3A_364 = arith.constant 0 : i32
      %dma_start3A_365 = arith.constant 0 : i32
      %dma_start3A_366 = arith.constant 0 : i32
      %dma_start3A_367 = tpu.memref_slice %arg6[%dma_start3A_363, %dma_start3A_365, %dma_start3A_366] : memref<4x128x128xf32, #tpu.memory_space<vmem>> -> memref<1x128x128xf32, #tpu.memory_space<vmem>>
      %dma_start3A_368 = tpu.memref_squeeze %dma_start3A_367 : memref<1x128x128xf32, #tpu.memory_space<vmem>> -> memref<128x128xf32, #tpu.memory_space<vmem>>
      %dma_start3A_369 = arith.constant 0 : i32
      %dma_start3A_370 = tpu.memref_slice %arg5[%add3A_362, %dma_start3A_369] : memref<104x128xi32, #tpu.memory_space<vmem>> -> memref<1x128xi32, #tpu.memory_space<vmem>>
      %dma_start3A_371 = tpu.memref_squeeze %dma_start3A_370 : memref<1x128xi32, #tpu.memory_space<vmem>> -> memref<128xi32, #tpu.memory_space<vmem>>
      %dma_start3A_372 = arith.constant 0 : i32
      %dma_start3A_373 = arith.constant 0 : i32
      %dma_start3A_374 = tpu.memref_slice %arg3[%dma_start3A_372, %dma_start3A_373] : memref<1000000x128xf32, #tpu.memory_space<hbm>> -> memref<1000000x128xf32, #tpu.memory_space<hbm>>
      %dma_start3A_375 = tpu.memref_slice %arg7[%dma_start3A_364] : memref<4x!tpu.dma_semaphore, #tpu.memory_space<semaphore_mem>> -> memref<1x!tpu.dma_semaphore, #tpu.memory_space<semaphore_mem>>
      %dma_start3A_376 = tpu.memref_squeeze %dma_start3A_375 : memref<1x!tpu.dma_semaphore, #tpu.memory_space<semaphore_mem>> -> memref<!tpu.dma_semaphore, #tpu.memory_space<semaphore_mem>>
      tpu.enqueue_indirect_dma source(%dma_start3A_374 : memref<1000000x128xf32, #tpu.memory_space<hbm>>) target(%dma_start3A_368 : memref<128x128xf32, #tpu.memory_space<vmem>>) offsets(%dma_start3A_371 : memref<128xi32, #tpu.memory_space<vmem>>) semaphore(%dma_start3A_376 : memref<!tpu.dma_semaphore, #tpu.memory_space<semaphore_mem>>)
      %add3A_377 = arith.constant 1 : i32
      %add3A_378 = arith.addi %add3A_301, %add3A_377 : i32
      %dma_wait3A_379 = arith.constant 0 : i32
      %dma_wait3A_380 = arith.constant 1 : i32
      %dma_wait3A_381 = arith.constant 1 : i32
      %dma_wait3A_382 = arith.constant 0 : i32
      %dma_wait3A_383 = arith.constant 0 : i32
      %dma_wait3A_384 = tpu.memref_slice %arg6[%dma_wait3A_380, %dma_wait3A_382, %dma_wait3A_383] : memref<4x128x128xf32, #tpu.memory_space<vmem>> -> memref<1x128x128xf32, #tpu.memory_space<vmem>>
      %dma_wait3A_385 = tpu.memref_squeeze %dma_wait3A_384 : memref<1x128x128xf32, #tpu.memory_space<vmem>> -> memref<128x128xf32, #tpu.memory_space<vmem>>
      %dma_wait3A_386 = arith.constant 0 : i32
      %dma_wait3A_387 = tpu.memref_slice %arg5[%dma_wait3A_379, %dma_wait3A_386] : memref<104x128xi32, #tpu.memory_space<vmem>> -> memref<1x128xi32, #tpu.memory_space<vmem>>
      %dma_wait3A_388 = tpu.memref_squeeze %dma_wait3A_387 : memref<1x128xi32, #tpu.memory_space<vmem>> -> memref<128xi32, #tpu.memory_space<vmem>>
      %dma_wait3A_389 = arith.constant 0 : i32
      %dma_wait3A_390 = arith.constant 0 : i32
      %dma_wait3A_391 = tpu.memref_slice %arg3[%dma_wait3A_389, %dma_wait3A_390] : memref<1000000x128xf32, #tpu.memory_space<hbm>> -> memref<1000000x128xf32, #tpu.memory_space<hbm>>
      %dma_wait3A_392 = tpu.memref_slice %arg7[%dma_wait3A_381] : memref<4x!tpu.dma_semaphore, #tpu.memory_space<semaphore_mem>> -> memref<1x!tpu.dma_semaphore, #tpu.memory_space<semaphore_mem>>
      %dma_wait3A_393 = tpu.memref_squeeze %dma_wait3A_392 : memref<1x!tpu.dma_semaphore, #tpu.memory_space<semaphore_mem>> -> memref<!tpu.dma_semaphore, #tpu.memory_space<semaphore_mem>>
      tpu.wait_indirect_dma semaphore(%dma_wait3A_393 : memref<!tpu.dma_semaphore, #tpu.memory_space<semaphore_mem>>) src(%dma_wait3A_391 : memref<1000000x128xf32, #tpu.memory_space<hbm>>) dst(%dma_wait3A_385 : memref<128x128xf32, #tpu.memory_space<vmem>>)
      %add3A_394 = arith.addi %mul3A_2, %add3A_378 : i32
      %dma_start3A_395 = arith.constant 1 : i32
      %dma_start3A_396 = arith.constant 1 : i32
      %dma_start3A_397 = arith.constant 0 : i32
      %dma_start3A_398 = arith.constant 0 : i32
      %dma_start3A_399 = tpu.memref_slice %arg6[%dma_start3A_395, %dma_start3A_397, %dma_start3A_398] : memref<4x128x128xf32, #tpu.memory_space<vmem>> -> memref<1x128x128xf32, #tpu.memory_space<vmem>>
      %dma_start3A_400 = tpu.memref_squeeze %dma_start3A_399 : memref<1x128x128xf32, #tpu.memory_space<vmem>> -> memref<128x128xf32, #tpu.memory_space<vmem>>
      %dma_start3A_401 = arith.constant 0 : i32
      %dma_start3A_402 = arith.constant 0 : i32
      %dma_start3A_403 = tpu.memref_slice %arg4[%add3A_394, %dma_start3A_401, %dma_start3A_402] : memref<3328x128x128xf32, #tpu.memory_space<hbm>> -> memref<1x128x128xf32, #tpu.memory_space<hbm>>
      %dma_start3A_404 = tpu.memref_squeeze %dma_start3A_403 : memref<1x128x128xf32, #tpu.memory_space<hbm>> -> memref<128x128xf32, #tpu.memory_space<hbm>>
      %dma_start3A_405 = tpu.memref_slice %arg8[%dma_start3A_396] : memref<4x!tpu.dma_semaphore, #tpu.memory_space<semaphore_mem>> -> memref<1x!tpu.dma_semaphore, #tpu.memory_space<semaphore_mem>>
      %dma_start3A_406 = tpu.memref_squeeze %dma_start3A_405 : memref<1x!tpu.dma_semaphore, #tpu.memory_space<semaphore_mem>> -> memref<!tpu.dma_semaphore, #tpu.memory_space<semaphore_mem>>
      %dma_start3A_407 = arith.constant 0 : i32
      %dma_start3A_408 = arith.constant 0 : i32
      %dma_start3A_409 = tpu.memref_slice %arg4[%add3A_394, %dma_start3A_407, %dma_start3A_408] : memref<3328x128x128xf32, #tpu.memory_space<hbm>> -> memref<1x128x128xf32, #tpu.memory_space<hbm>>
      %dma_start3A_410 = tpu.memref_squeeze %dma_start3A_409 : memref<1x128x128xf32, #tpu.memory_space<hbm>> -> memref<128x128xf32, #tpu.memory_space<hbm>>
      %dma_start3A_411 = arith.constant 0 : i32
      %dma_start3A_412 = arith.constant 0 : i32
      %dma_start3A_413 = tpu.memref_slice %arg6[%dma_start3A_395, %dma_start3A_411, %dma_start3A_412] : memref<4x128x128xf32, #tpu.memory_space<vmem>> -> memref<1x128x128xf32, #tpu.memory_space<vmem>>
      %dma_start3A_414 = tpu.memref_squeeze %dma_start3A_413 : memref<1x128x128xf32, #tpu.memory_space<vmem>> -> memref<128x128xf32, #tpu.memory_space<vmem>>
      tpu.enqueue_dma source(%dma_start3A_414 : memref<128x128xf32, #tpu.memory_space<vmem>>) target(%dma_start3A_410 : memref<128x128xf32, #tpu.memory_space<hbm>>) target_semaphore(%dma_start3A_406 : memref<!tpu.dma_semaphore, #tpu.memory_space<semaphore_mem>>)
      %dma_wait3A_415 = arith.constant 1 : i32
      %dma_wait3A_416 = arith.constant 0 : i32
      %dma_wait3A_417 = arith.constant 1 : i32
      %dma_wait3A_418 = arith.constant 0 : i32
      %dma_wait3A_419 = arith.constant 0 : i32
      %dma_wait3A_420 = tpu.memref_slice %arg6[%dma_wait3A_415, %dma_wait3A_418, %dma_wait3A_419] : memref<4x128x128xf32, #tpu.memory_space<vmem>> -> memref<1x128x128xf32, #tpu.memory_space<vmem>>
      %dma_wait3A_421 = tpu.memref_squeeze %dma_wait3A_420 : memref<1x128x128xf32, #tpu.memory_space<vmem>> -> memref<128x128xf32, #tpu.memory_space<vmem>>
      %dma_wait3A_422 = arith.constant 0 : i32
      %dma_wait3A_423 = arith.constant 0 : i32
      %dma_wait3A_424 = tpu.memref_slice %arg4[%dma_wait3A_416, %dma_wait3A_422, %dma_wait3A_423] : memref<3328x128x128xf32, #tpu.memory_space<hbm>> -> memref<1x128x128xf32, #tpu.memory_space<hbm>>
      %dma_wait3A_425 = tpu.memref_squeeze %dma_wait3A_424 : memref<1x128x128xf32, #tpu.memory_space<hbm>> -> memref<128x128xf32, #tpu.memory_space<hbm>>
      %dma_wait3A_426 = tpu.memref_slice %arg8[%dma_wait3A_417] : memref<4x!tpu.dma_semaphore, #tpu.memory_space<semaphore_mem>> -> memref<1x!tpu.dma_semaphore, #tpu.memory_space<semaphore_mem>>
      %dma_wait3A_427 = tpu.memref_squeeze %dma_wait3A_426 : memref<1x!tpu.dma_semaphore, #tpu.memory_space<semaphore_mem>> -> memref<!tpu.dma_semaphore, #tpu.memory_space<semaphore_mem>>
      %dma_wait3A_428 = arith.constant 0 : i32
      %dma_wait3A_429 = arith.constant 0 : i32
      %dma_wait3A_430 = tpu.memref_slice %arg4[%dma_wait3A_416, %dma_wait3A_428, %dma_wait3A_429] : memref<3328x128x128xf32, #tpu.memory_space<hbm>> -> memref<1x128x128xf32, #tpu.memory_space<hbm>>
      %dma_wait3A_431 = tpu.memref_squeeze %dma_wait3A_430 : memref<1x128x128xf32, #tpu.memory_space<hbm>> -> memref<128x128xf32, #tpu.memory_space<hbm>>
      %dma_wait3A_432 = arith.constant 0 : i32
      %dma_wait3A_433 = arith.constant 0 : i32
      %dma_wait3A_434 = tpu.memref_slice %arg6[%dma_wait3A_415, %dma_wait3A_432, %dma_wait3A_433] : memref<4x128x128xf32, #tpu.memory_space<vmem>> -> memref<1x128x128xf32, #tpu.memory_space<vmem>>
      %dma_wait3A_435 = tpu.memref_squeeze %dma_wait3A_434 : memref<1x128x128xf32, #tpu.memory_space<vmem>> -> memref<128x128xf32, #tpu.memory_space<vmem>>
      tpu.wait_dma2 semaphore(%dma_wait3A_427 : memref<!tpu.dma_semaphore, #tpu.memory_space<semaphore_mem>>) src(%dma_wait3A_435 : memref<128x128xf32, #tpu.memory_space<vmem>>) dst(%dma_wait3A_431 : memref<128x128xf32, #tpu.memory_space<hbm>>)
      %add3A_436 = arith.constant 4 : i32
      %add3A_437 = arith.addi %add3A_378, %add3A_436 : i32
      %dma_start3A_438 = arith.constant 1 : i32
      %dma_start3A_439 = arith.constant 1 : i32
      %dma_start3A_440 = arith.constant 0 : i32
      %dma_start3A_441 = arith.constant 0 : i32
      %dma_start3A_442 = tpu.memref_slice %arg6[%dma_start3A_438, %dma_start3A_440, %dma_start3A_441] : memref<4x128x128xf32, #tpu.memory_space<vmem>> -> memref<1x128x128xf32, #tpu.memory_space<vmem>>
      %dma_start3A_443 = tpu.memref_squeeze %dma_start3A_442 : memref<1x128x128xf32, #tpu.memory_space<vmem>> -> memref<128x128xf32, #tpu.memory_space<vmem>>
      %dma_start3A_444 = arith.constant 0 : i32
      %dma_start3A_445 = tpu.memref_slice %arg5[%add3A_437, %dma_start3A_444] : memref<104x128xi32, #tpu.memory_space<vmem>> -> memref<1x128xi32, #tpu.memory_space<vmem>>
      %dma_start3A_446 = tpu.memref_squeeze %dma_start3A_445 : memref<1x128xi32, #tpu.memory_space<vmem>> -> memref<128xi32, #tpu.memory_space<vmem>>
      %dma_start3A_447 = arith.constant 0 : i32
      %dma_start3A_448 = arith.constant 0 : i32
      %dma_start3A_449 = tpu.memref_slice %arg3[%dma_start3A_447, %dma_start3A_448] : memref<1000000x128xf32, #tpu.memory_space<hbm>> -> memref<1000000x128xf32, #tpu.memory_space<hbm>>
      %dma_start3A_450 = tpu.memref_slice %arg7[%dma_start3A_439] : memref<4x!tpu.dma_semaphore, #tpu.memory_space<semaphore_mem>> -> memref<1x!tpu.dma_semaphore, #tpu.memory_space<semaphore_mem>>
      %dma_start3A_451 = tpu.memref_squeeze %dma_start3A_450 : memref<1x!tpu.dma_semaphore, #tpu.memory_space<semaphore_mem>> -> memref<!tpu.dma_semaphore, #tpu.memory_space<semaphore_mem>>
      tpu.enqueue_indirect_dma source(%dma_start3A_449 : memref<1000000x128xf32, #tpu.memory_space<hbm>>) target(%dma_start3A_443 : memref<128x128xf32, #tpu.memory_space<vmem>>) offsets(%dma_start3A_446 : memref<128xi32, #tpu.memory_space<vmem>>) semaphore(%dma_start3A_451 : memref<!tpu.dma_semaphore, #tpu.memory_space<semaphore_mem>>)
      %add3A_452 = arith.constant 2 : i32
      %add3A_453 = arith.addi %add3A_301, %add3A_452 : i32
      %dma_wait3A_454 = arith.constant 0 : i32
      %dma_wait3A_455 = arith.constant 2 : i32
      %dma_wait3A_456 = arith.constant 2 : i32
      %dma_wait3A_457 = arith.constant 0 : i32
      %dma_wait3A_458 = arith.constant 0 : i32
      %dma_wait3A_459 = tpu.memref_slice %arg6[%dma_wait3A_455, %dma_wait3A_457, %dma_wait3A_458] : memref<4x128x128xf32, #tpu.memory_space<vmem>> -> memref<1x128x128xf32, #tpu.memory_space<vmem>>
      %dma_wait3A_460 = tpu.memref_squeeze %dma_wait3A_459 : memref<1x128x128xf32, #tpu.memory_space<vmem>> -> memref<128x128xf32, #tpu.memory_space<vmem>>
      %dma_wait3A_461 = arith.constant 0 : i32
      %dma_wait3A_462 = tpu.memref_slice %arg5[%dma_wait3A_454, %dma_wait3A_461] : memref<104x128xi32, #tpu.memory_space<vmem>> -> memref<1x128xi32, #tpu.memory_space<vmem>>
      %dma_wait3A_463 = tpu.memref_squeeze %dma_wait3A_462 : memref<1x128xi32, #tpu.memory_space<vmem>> -> memref<128xi32, #tpu.memory_space<vmem>>
      %dma_wait3A_464 = arith.constant 0 : i32
      %dma_wait3A_465 = arith.constant 0 : i32
      %dma_wait3A_466 = tpu.memref_slice %arg3[%dma_wait3A_464, %dma_wait3A_465] : memref<1000000x128xf32, #tpu.memory_space<hbm>> -> memref<1000000x128xf32, #tpu.memory_space<hbm>>
      %dma_wait3A_467 = tpu.memref_slice %arg7[%dma_wait3A_456] : memref<4x!tpu.dma_semaphore, #tpu.memory_space<semaphore_mem>> -> memref<1x!tpu.dma_semaphore, #tpu.memory_space<semaphore_mem>>
      %dma_wait3A_468 = tpu.memref_squeeze %dma_wait3A_467 : memref<1x!tpu.dma_semaphore, #tpu.memory_space<semaphore_mem>> -> memref<!tpu.dma_semaphore, #tpu.memory_space<semaphore_mem>>
      tpu.wait_indirect_dma semaphore(%dma_wait3A_468 : memref<!tpu.dma_semaphore, #tpu.memory_space<semaphore_mem>>) src(%dma_wait3A_466 : memref<1000000x128xf32, #tpu.memory_space<hbm>>) dst(%dma_wait3A_460 : memref<128x128xf32, #tpu.memory_space<vmem>>)
      %add3A_469 = arith.addi %mul3A_2, %add3A_453 : i32
      %dma_start3A_470 = arith.constant 2 : i32
      %dma_start3A_471 = arith.constant 2 : i32
      %dma_start3A_472 = arith.constant 0 : i32
      %dma_start3A_473 = arith.constant 0 : i32
      %dma_start3A_474 = tpu.memref_slice %arg6[%dma_start3A_470, %dma_start3A_472, %dma_start3A_473] : memref<4x128x128xf32, #tpu.memory_space<vmem>> -> memref<1x128x128xf32, #tpu.memory_space<vmem>>
      %dma_start3A_475 = tpu.memref_squeeze %dma_start3A_474 : memref<1x128x128xf32, #tpu.memory_space<vmem>> -> memref<128x128xf32, #tpu.memory_space<vmem>>
      %dma_start3A_476 = arith.constant 0 : i32
      %dma_start3A_477 = arith.constant 0 : i32
      %dma_start3A_478 = tpu.memref_slice %arg4[%add3A_469, %dma_start3A_476, %dma_start3A_477] : memref<3328x128x128xf32, #tpu.memory_space<hbm>> -> memref<1x128x128xf32, #tpu.memory_space<hbm>>
      %dma_start3A_479 = tpu.memref_squeeze %dma_start3A_478 : memref<1x128x128xf32, #tpu.memory_space<hbm>> -> memref<128x128xf32, #tpu.memory_space<hbm>>
      %dma_start3A_480 = tpu.memref_slice %arg8[%dma_start3A_471] : memref<4x!tpu.dma_semaphore, #tpu.memory_space<semaphore_mem>> -> memref<1x!tpu.dma_semaphore, #tpu.memory_space<semaphore_mem>>
      %dma_start3A_481 = tpu.memref_squeeze %dma_start3A_480 : memref<1x!tpu.dma_semaphore, #tpu.memory_space<semaphore_mem>> -> memref<!tpu.dma_semaphore, #tpu.memory_space<semaphore_mem>>
      %dma_start3A_482 = arith.constant 0 : i32
      %dma_start3A_483 = arith.constant 0 : i32
      %dma_start3A_484 = tpu.memref_slice %arg4[%add3A_469, %dma_start3A_482, %dma_start3A_483] : memref<3328x128x128xf32, #tpu.memory_space<hbm>> -> memref<1x128x128xf32, #tpu.memory_space<hbm>>
      %dma_start3A_485 = tpu.memref_squeeze %dma_start3A_484 : memref<1x128x128xf32, #tpu.memory_space<hbm>> -> memref<128x128xf32, #tpu.memory_space<hbm>>
      %dma_start3A_486 = arith.constant 0 : i32
      %dma_start3A_487 = arith.constant 0 : i32
      %dma_start3A_488 = tpu.memref_slice %arg6[%dma_start3A_470, %dma_start3A_486, %dma_start3A_487] : memref<4x128x128xf32, #tpu.memory_space<vmem>> -> memref<1x128x128xf32, #tpu.memory_space<vmem>>
      %dma_start3A_489 = tpu.memref_squeeze %dma_start3A_488 : memref<1x128x128xf32, #tpu.memory_space<vmem>> -> memref<128x128xf32, #tpu.memory_space<vmem>>
      tpu.enqueue_dma source(%dma_start3A_489 : memref<128x128xf32, #tpu.memory_space<vmem>>) target(%dma_start3A_485 : memref<128x128xf32, #tpu.memory_space<hbm>>) target_semaphore(%dma_start3A_481 : memref<!tpu.dma_semaphore, #tpu.memory_space<semaphore_mem>>)
      %dma_wait3A_490 = arith.constant 2 : i32
      %dma_wait3A_491 = arith.constant 0 : i32
      %dma_wait3A_492 = arith.constant 2 : i32
      %dma_wait3A_493 = arith.constant 0 : i32
      %dma_wait3A_494 = arith.constant 0 : i32
      %dma_wait3A_495 = tpu.memref_slice %arg6[%dma_wait3A_490, %dma_wait3A_493, %dma_wait3A_494] : memref<4x128x128xf32, #tpu.memory_space<vmem>> -> memref<1x128x128xf32, #tpu.memory_space<vmem>>
      %dma_wait3A_496 = tpu.memref_squeeze %dma_wait3A_495 : memref<1x128x128xf32, #tpu.memory_space<vmem>> -> memref<128x128xf32, #tpu.memory_space<vmem>>
      %dma_wait3A_497 = arith.constant 0 : i32
      %dma_wait3A_498 = arith.constant 0 : i32
      %dma_wait3A_499 = tpu.memref_slice %arg4[%dma_wait3A_491, %dma_wait3A_497, %dma_wait3A_498] : memref<3328x128x128xf32, #tpu.memory_space<hbm>> -> memref<1x128x128xf32, #tpu.memory_space<hbm>>
      %dma_wait3A_500 = tpu.memref_squeeze %dma_wait3A_499 : memref<1x128x128xf32, #tpu.memory_space<hbm>> -> memref<128x128xf32, #tpu.memory_space<hbm>>
      %dma_wait3A_501 = tpu.memref_slice %arg8[%dma_wait3A_492] : memref<4x!tpu.dma_semaphore, #tpu.memory_space<semaphore_mem>> -> memref<1x!tpu.dma_semaphore, #tpu.memory_space<semaphore_mem>>
      %dma_wait3A_502 = tpu.memref_squeeze %dma_wait3A_501 : memref<1x!tpu.dma_semaphore, #tpu.memory_space<semaphore_mem>> -> memref<!tpu.dma_semaphore, #tpu.memory_space<semaphore_mem>>
      %dma_wait3A_503 = arith.constant 0 : i32
      %dma_wait3A_504 = arith.constant 0 : i32
      %dma_wait3A_505 = tpu.memref_slice %arg4[%dma_wait3A_491, %dma_wait3A_503, %dma_wait3A_504] : memref<3328x128x128xf32, #tpu.memory_space<hbm>> -> memref<1x128x128xf32, #tpu.memory_space<hbm>>
      %dma_wait3A_506 = tpu.memref_squeeze %dma_wait3A_505 : memref<1x128x128xf32, #tpu.memory_space<hbm>> -> memref<128x128xf32, #tpu.memory_space<hbm>>
      %dma_wait3A_507 = arith.constant 0 : i32
      %dma_wait3A_508 = arith.constant 0 : i32
      %dma_wait3A_509 = tpu.memref_slice %arg6[%dma_wait3A_490, %dma_wait3A_507, %dma_wait3A_508] : memref<4x128x128xf32, #tpu.memory_space<vmem>> -> memref<1x128x128xf32, #tpu.memory_space<vmem>>
      %dma_wait3A_510 = tpu.memref_squeeze %dma_wait3A_509 : memref<1x128x128xf32, #tpu.memory_space<vmem>> -> memref<128x128xf32, #tpu.memory_space<vmem>>
      tpu.wait_dma2 semaphore(%dma_wait3A_502 : memref<!tpu.dma_semaphore, #tpu.memory_space<semaphore_mem>>) src(%dma_wait3A_510 : memref<128x128xf32, #tpu.memory_space<vmem>>) dst(%dma_wait3A_506 : memref<128x128xf32, #tpu.memory_space<hbm>>)
      %add3A_511 = arith.constant 4 : i32
      %add3A_512 = arith.addi %add3A_453, %add3A_511 : i32
      %dma_start3A_513 = arith.constant 2 : i32
      %dma_start3A_514 = arith.constant 2 : i32
      %dma_start3A_515 = arith.constant 0 : i32
      %dma_start3A_516 = arith.constant 0 : i32
      %dma_start3A_517 = tpu.memref_slice %arg6[%dma_start3A_513, %dma_start3A_515, %dma_start3A_516] : memref<4x128x128xf32, #tpu.memory_space<vmem>> -> memref<1x128x128xf32, #tpu.memory_space<vmem>>
      %dma_start3A_518 = tpu.memref_squeeze %dma_start3A_517 : memref<1x128x128xf32, #tpu.memory_space<vmem>> -> memref<128x128xf32, #tpu.memory_space<vmem>>
      %dma_start3A_519 = arith.constant 0 : i32
      %dma_start3A_520 = tpu.memref_slice %arg5[%add3A_512, %dma_start3A_519] : memref<104x128xi32, #tpu.memory_space<vmem>> -> memref<1x128xi32, #tpu.memory_space<vmem>>
      %dma_start3A_521 = tpu.memref_squeeze %dma_start3A_520 : memref<1x128xi32, #tpu.memory_space<vmem>> -> memref<128xi32, #tpu.memory_space<vmem>>
      %dma_start3A_522 = arith.constant 0 : i32
      %dma_start3A_523 = arith.constant 0 : i32
      %dma_start3A_524 = tpu.memref_slice %arg3[%dma_start3A_522, %dma_start3A_523] : memref<1000000x128xf32, #tpu.memory_space<hbm>> -> memref<1000000x128xf32, #tpu.memory_space<hbm>>
      %dma_start3A_525 = tpu.memref_slice %arg7[%dma_start3A_514] : memref<4x!tpu.dma_semaphore, #tpu.memory_space<semaphore_mem>> -> memref<1x!tpu.dma_semaphore, #tpu.memory_space<semaphore_mem>>
      %dma_start3A_526 = tpu.memref_squeeze %dma_start3A_525 : memref<1x!tpu.dma_semaphore, #tpu.memory_space<semaphore_mem>> -> memref<!tpu.dma_semaphore, #tpu.memory_space<semaphore_mem>>
      tpu.enqueue_indirect_dma source(%dma_start3A_524 : memref<1000000x128xf32, #tpu.memory_space<hbm>>) target(%dma_start3A_518 : memref<128x128xf32, #tpu.memory_space<vmem>>) offsets(%dma_start3A_521 : memref<128xi32, #tpu.memory_space<vmem>>) semaphore(%dma_start3A_526 : memref<!tpu.dma_semaphore, #tpu.memory_space<semaphore_mem>>)
      %add3A_527 = arith.constant 3 : i32
      %add3A_528 = arith.addi %add3A_301, %add3A_527 : i32
      %dma_wait3A_529 = arith.constant 0 : i32
      %dma_wait3A_530 = arith.constant 3 : i32
      %dma_wait3A_531 = arith.constant 3 : i32
      %dma_wait3A_532 = arith.constant 0 : i32
      %dma_wait3A_533 = arith.constant 0 : i32
      %dma_wait3A_534 = tpu.memref_slice %arg6[%dma_wait3A_530, %dma_wait3A_532, %dma_wait3A_533] : memref<4x128x128xf32, #tpu.memory_space<vmem>> -> memref<1x128x128xf32, #tpu.memory_space<vmem>>
      %dma_wait3A_535 = tpu.memref_squeeze %dma_wait3A_534 : memref<1x128x128xf32, #tpu.memory_space<vmem>> -> memref<128x128xf32, #tpu.memory_space<vmem>>
      %dma_wait3A_536 = arith.constant 0 : i32
      %dma_wait3A_537 = tpu.memref_slice %arg5[%dma_wait3A_529, %dma_wait3A_536] : memref<104x128xi32, #tpu.memory_space<vmem>> -> memref<1x128xi32, #tpu.memory_space<vmem>>
      %dma_wait3A_538 = tpu.memref_squeeze %dma_wait3A_537 : memref<1x128xi32, #tpu.memory_space<vmem>> -> memref<128xi32, #tpu.memory_space<vmem>>
      %dma_wait3A_539 = arith.constant 0 : i32
      %dma_wait3A_540 = arith.constant 0 : i32
      %dma_wait3A_541 = tpu.memref_slice %arg3[%dma_wait3A_539, %dma_wait3A_540] : memref<1000000x128xf32, #tpu.memory_space<hbm>> -> memref<1000000x128xf32, #tpu.memory_space<hbm>>
      %dma_wait3A_542 = tpu.memref_slice %arg7[%dma_wait3A_531] : memref<4x!tpu.dma_semaphore, #tpu.memory_space<semaphore_mem>> -> memref<1x!tpu.dma_semaphore, #tpu.memory_space<semaphore_mem>>
      %dma_wait3A_543 = tpu.memref_squeeze %dma_wait3A_542 : memref<1x!tpu.dma_semaphore, #tpu.memory_space<semaphore_mem>> -> memref<!tpu.dma_semaphore, #tpu.memory_space<semaphore_mem>>
      tpu.wait_indirect_dma semaphore(%dma_wait3A_543 : memref<!tpu.dma_semaphore, #tpu.memory_space<semaphore_mem>>) src(%dma_wait3A_541 : memref<1000000x128xf32, #tpu.memory_space<hbm>>) dst(%dma_wait3A_535 : memref<128x128xf32, #tpu.memory_space<vmem>>)
      %add3A_544 = arith.addi %mul3A_2, %add3A_528 : i32
      %dma_start3A_545 = arith.constant 3 : i32
      %dma_start3A_546 = arith.constant 3 : i32
      %dma_start3A_547 = arith.constant 0 : i32
      %dma_start3A_548 = arith.constant 0 : i32
      %dma_start3A_549 = tpu.memref_slice %arg6[%dma_start3A_545, %dma_start3A_547, %dma_start3A_548] : memref<4x128x128xf32, #tpu.memory_space<vmem>> -> memref<1x128x128xf32, #tpu.memory_space<vmem>>
      %dma_start3A_550 = tpu.memref_squeeze %dma_start3A_549 : memref<1x128x128xf32, #tpu.memory_space<vmem>> -> memref<128x128xf32, #tpu.memory_space<vmem>>
      %dma_start3A_551 = arith.constant 0 : i32
      %dma_start3A_552 = arith.constant 0 : i32
      %dma_start3A_553 = tpu.memref_slice %arg4[%add3A_544, %dma_start3A_551, %dma_start3A_552] : memref<3328x128x128xf32, #tpu.memory_space<hbm>> -> memref<1x128x128xf32, #tpu.memory_space<hbm>>
      %dma_start3A_554 = tpu.memref_squeeze %dma_start3A_553 : memref<1x128x128xf32, #tpu.memory_space<hbm>> -> memref<128x128xf32, #tpu.memory_space<hbm>>
      %dma_start3A_555 = tpu.memref_slice %arg8[%dma_start3A_546] : memref<4x!tpu.dma_semaphore, #tpu.memory_space<semaphore_mem>> -> memref<1x!tpu.dma_semaphore, #tpu.memory_space<semaphore_mem>>
      %dma_start3A_556 = tpu.memref_squeeze %dma_start3A_555 : memref<1x!tpu.dma_semaphore, #tpu.memory_space<semaphore_mem>> -> memref<!tpu.dma_semaphore, #tpu.memory_space<semaphore_mem>>
      %dma_start3A_557 = arith.constant 0 : i32
      %dma_start3A_558 = arith.constant 0 : i32
      %dma_start3A_559 = tpu.memref_slice %arg4[%add3A_544, %dma_start3A_557, %dma_start3A_558] : memref<3328x128x128xf32, #tpu.memory_space<hbm>> -> memref<1x128x128xf32, #tpu.memory_space<hbm>>
      %dma_start3A_560 = tpu.memref_squeeze %dma_start3A_559 : memref<1x128x128xf32, #tpu.memory_space<hbm>> -> memref<128x128xf32, #tpu.memory_space<hbm>>
      %dma_start3A_561 = arith.constant 0 : i32
      %dma_start3A_562 = arith.constant 0 : i32
      %dma_start3A_563 = tpu.memref_slice %arg6[%dma_start3A_545, %dma_start3A_561, %dma_start3A_562] : memref<4x128x128xf32, #tpu.memory_space<vmem>> -> memref<1x128x128xf32, #tpu.memory_space<vmem>>
      %dma_start3A_564 = tpu.memref_squeeze %dma_start3A_563 : memref<1x128x128xf32, #tpu.memory_space<vmem>> -> memref<128x128xf32, #tpu.memory_space<vmem>>
      tpu.enqueue_dma source(%dma_start3A_564 : memref<128x128xf32, #tpu.memory_space<vmem>>) target(%dma_start3A_560 : memref<128x128xf32, #tpu.memory_space<hbm>>) target_semaphore(%dma_start3A_556 : memref<!tpu.dma_semaphore, #tpu.memory_space<semaphore_mem>>)
      %dma_wait3A_565 = arith.constant 3 : i32
      %dma_wait3A_566 = arith.constant 0 : i32
      %dma_wait3A_567 = arith.constant 3 : i32
      %dma_wait3A_568 = arith.constant 0 : i32
      %dma_wait3A_569 = arith.constant 0 : i32
      %dma_wait3A_570 = tpu.memref_slice %arg6[%dma_wait3A_565, %dma_wait3A_568, %dma_wait3A_569] : memref<4x128x128xf32, #tpu.memory_space<vmem>> -> memref<1x128x128xf32, #tpu.memory_space<vmem>>
      %dma_wait3A_571 = tpu.memref_squeeze %dma_wait3A_570 : memref<1x128x128xf32, #tpu.memory_space<vmem>> -> memref<128x128xf32, #tpu.memory_space<vmem>>
      %dma_wait3A_572 = arith.constant 0 : i32
      %dma_wait3A_573 = arith.constant 0 : i32
      %dma_wait3A_574 = tpu.memref_slice %arg4[%dma_wait3A_566, %dma_wait3A_572, %dma_wait3A_573] : memref<3328x128x128xf32, #tpu.memory_space<hbm>> -> memref<1x128x128xf32, #tpu.memory_space<hbm>>
      %dma_wait3A_575 = tpu.memref_squeeze %dma_wait3A_574 : memref<1x128x128xf32, #tpu.memory_space<hbm>> -> memref<128x128xf32, #tpu.memory_space<hbm>>
      %dma_wait3A_576 = tpu.memref_slice %arg8[%dma_wait3A_567] : memref<4x!tpu.dma_semaphore, #tpu.memory_space<semaphore_mem>> -> memref<1x!tpu.dma_semaphore, #tpu.memory_space<semaphore_mem>>
      %dma_wait3A_577 = tpu.memref_squeeze %dma_wait3A_576 : memref<1x!tpu.dma_semaphore, #tpu.memory_space<semaphore_mem>> -> memref<!tpu.dma_semaphore, #tpu.memory_space<semaphore_mem>>
      %dma_wait3A_578 = arith.constant 0 : i32
      %dma_wait3A_579 = arith.constant 0 : i32
      %dma_wait3A_580 = tpu.memref_slice %arg4[%dma_wait3A_566, %dma_wait3A_578, %dma_wait3A_579] : memref<3328x128x128xf32, #tpu.memory_space<hbm>> -> memref<1x128x128xf32, #tpu.memory_space<hbm>>
      %dma_wait3A_581 = tpu.memref_squeeze %dma_wait3A_580 : memref<1x128x128xf32, #tpu.memory_space<hbm>> -> memref<128x128xf32, #tpu.memory_space<hbm>>
      %dma_wait3A_582 = arith.constant 0 : i32
      %dma_wait3A_583 = arith.constant 0 : i32
      %dma_wait3A_584 = tpu.memref_slice %arg6[%dma_wait3A_565, %dma_wait3A_582, %dma_wait3A_583] : memref<4x128x128xf32, #tpu.memory_space<vmem>> -> memref<1x128x128xf32, #tpu.memory_space<vmem>>
      %dma_wait3A_585 = tpu.memref_squeeze %dma_wait3A_584 : memref<1x128x128xf32, #tpu.memory_space<vmem>> -> memref<128x128xf32, #tpu.memory_space<vmem>>
      tpu.wait_dma2 semaphore(%dma_wait3A_577 : memref<!tpu.dma_semaphore, #tpu.memory_space<semaphore_mem>>) src(%dma_wait3A_585 : memref<128x128xf32, #tpu.memory_space<vmem>>) dst(%dma_wait3A_581 : memref<128x128xf32, #tpu.memory_space<hbm>>)
      %add3A_586 = arith.constant 4 : i32
      %add3A_587 = arith.addi %add3A_528, %add3A_586 : i32
      %dma_start3A_588 = arith.constant 3 : i32
      %dma_start3A_589 = arith.constant 3 : i32
      %dma_start3A_590 = arith.constant 0 : i32
      %dma_start3A_591 = arith.constant 0 : i32
      %dma_start3A_592 = tpu.memref_slice %arg6[%dma_start3A_588, %dma_start3A_590, %dma_start3A_591] : memref<4x128x128xf32, #tpu.memory_space<vmem>> -> memref<1x128x128xf32, #tpu.memory_space<vmem>>
      %dma_start3A_593 = tpu.memref_squeeze %dma_start3A_592 : memref<1x128x128xf32, #tpu.memory_space<vmem>> -> memref<128x128xf32, #tpu.memory_space<vmem>>
      %dma_start3A_594 = arith.constant 0 : i32
      %dma_start3A_595 = tpu.memref_slice %arg5[%add3A_587, %dma_start3A_594] : memref<104x128xi32, #tpu.memory_space<vmem>> -> memref<1x128xi32, #tpu.memory_space<vmem>>
      %dma_start3A_596 = tpu.memref_squeeze %dma_start3A_595 : memref<1x128xi32, #tpu.memory_space<vmem>> -> memref<128xi32, #tpu.memory_space<vmem>>
      %dma_start3A_597 = arith.constant 0 : i32
      %dma_start3A_598 = arith.constant 0 : i32
      %dma_start3A_599 = tpu.memref_slice %arg3[%dma_start3A_597, %dma_start3A_598] : memref<1000000x128xf32, #tpu.memory_space<hbm>> -> memref<1000000x128xf32, #tpu.memory_space<hbm>>
      %dma_start3A_600 = tpu.memref_slice %arg7[%dma_start3A_589] : memref<4x!tpu.dma_semaphore, #tpu.memory_space<semaphore_mem>> -> memref<1x!tpu.dma_semaphore, #tpu.memory_space<semaphore_mem>>
      %dma_start3A_601 = tpu.memref_squeeze %dma_start3A_600 : memref<1x!tpu.dma_semaphore, #tpu.memory_space<semaphore_mem>> -> memref<!tpu.dma_semaphore, #tpu.memory_space<semaphore_mem>>
      tpu.enqueue_indirect_dma source(%dma_start3A_599 : memref<1000000x128xf32, #tpu.memory_space<hbm>>) target(%dma_start3A_593 : memref<128x128xf32, #tpu.memory_space<vmem>>) offsets(%dma_start3A_596 : memref<128xi32, #tpu.memory_space<vmem>>) semaphore(%dma_start3A_601 : memref<!tpu.dma_semaphore, #tpu.memory_space<semaphore_mem>>)
    }
    %scan3A_65 = arith.constant 25 : i32
    %dma_wait3A = arith.constant 0 : i32
    %dma_wait3A_66 = arith.constant 0 : i32
    %dma_wait3A_67 = arith.constant 0 : i32
    %dma_wait3A_68 = arith.constant 0 : i32
    %dma_wait3A_69 = arith.constant 0 : i32
    %dma_wait3A_70 = tpu.memref_slice %arg6[%dma_wait3A_66, %dma_wait3A_68, %dma_wait3A_69] : memref<4x128x128xf32, #tpu.memory_space<vmem>> -> memref<1x128x128xf32, #tpu.memory_space<vmem>>
    %dma_wait3A_71 = tpu.memref_squeeze %dma_wait3A_70 : memref<1x128x128xf32, #tpu.memory_space<vmem>> -> memref<128x128xf32, #tpu.memory_space<vmem>>
    %dma_wait3A_72 = arith.constant 0 : i32
    %dma_wait3A_73 = tpu.memref_slice %arg5[%dma_wait3A, %dma_wait3A_72] : memref<104x128xi32, #tpu.memory_space<vmem>> -> memref<1x128xi32, #tpu.memory_space<vmem>>
    %dma_wait3A_74 = tpu.memref_squeeze %dma_wait3A_73 : memref<1x128xi32, #tpu.memory_space<vmem>> -> memref<128xi32, #tpu.memory_space<vmem>>
    %dma_wait3A_75 = arith.constant 0 : i32
    %dma_wait3A_76 = arith.constant 0 : i32
    %dma_wait3A_77 = tpu.memref_slice %arg3[%dma_wait3A_75, %dma_wait3A_76] : memref<1000000x128xf32, #tpu.memory_space<hbm>> -> memref<1000000x128xf32, #tpu.memory_space<hbm>>
    %dma_wait3A_78 = tpu.memref_slice %arg7[%dma_wait3A_67] : memref<4x!tpu.dma_semaphore, #tpu.memory_space<semaphore_mem>> -> memref<1x!tpu.dma_semaphore, #tpu.memory_space<semaphore_mem>>
    %dma_wait3A_79 = tpu.memref_squeeze %dma_wait3A_78 : memref<1x!tpu.dma_semaphore, #tpu.memory_space<semaphore_mem>> -> memref<!tpu.dma_semaphore, #tpu.memory_space<semaphore_mem>>
    tpu.wait_indirect_dma semaphore(%dma_wait3A_79 : memref<!tpu.dma_semaphore, #tpu.memory_space<semaphore_mem>>) src(%dma_wait3A_77 : memref<1000000x128xf32, #tpu.memory_space<hbm>>) dst(%dma_wait3A_71 : memref<128x128xf32, #tpu.memory_space<vmem>>)
    %add3A_80 = arith.constant 100 : i32
    %add3A_81 = arith.addi %mul3A_2, %add3A_80 : i32
    %dma_start3A_82 = arith.constant 0 : i32
    %dma_start3A_83 = arith.constant 0 : i32
    %dma_start3A_84 = arith.constant 0 : i32
    %dma_start3A_85 = arith.constant 0 : i32
    %dma_start3A_86 = tpu.memref_slice %arg6[%dma_start3A_82, %dma_start3A_84, %dma_start3A_85] : memref<4x128x128xf32, #tpu.memory_space<vmem>> -> memref<1x128x128xf32, #tpu.memory_space<vmem>>
    %dma_start3A_87 = tpu.memref_squeeze %dma_start3A_86 : memref<1x128x128xf32, #tpu.memory_space<vmem>> -> memref<128x128xf32, #tpu.memory_space<vmem>>
    %dma_start3A_88 = arith.constant 0 : i32
    %dma_start3A_89 = arith.constant 0 : i32
    %dma_start3A_90 = tpu.memref_slice %arg4[%add3A_81, %dma_start3A_88, %dma_start3A_89] : memref<3328x128x128xf32, #tpu.memory_space<hbm>> -> memref<1x128x128xf32, #tpu.memory_space<hbm>>
    %dma_start3A_91 = tpu.memref_squeeze %dma_start3A_90 : memref<1x128x128xf32, #tpu.memory_space<hbm>> -> memref<128x128xf32, #tpu.memory_space<hbm>>
    %dma_start3A_92 = tpu.memref_slice %arg8[%dma_start3A_83] : memref<4x!tpu.dma_semaphore, #tpu.memory_space<semaphore_mem>> -> memref<1x!tpu.dma_semaphore, #tpu.memory_space<semaphore_mem>>
    %dma_start3A_93 = tpu.memref_squeeze %dma_start3A_92 : memref<1x!tpu.dma_semaphore, #tpu.memory_space<semaphore_mem>> -> memref<!tpu.dma_semaphore, #tpu.memory_space<semaphore_mem>>
    %dma_start3A_94 = arith.constant 0 : i32
    %dma_start3A_95 = arith.constant 0 : i32
    %dma_start3A_96 = tpu.memref_slice %arg4[%add3A_81, %dma_start3A_94, %dma_start3A_95] : memref<3328x128x128xf32, #tpu.memory_space<hbm>> -> memref<1x128x128xf32, #tpu.memory_space<hbm>>
    %dma_start3A_97 = tpu.memref_squeeze %dma_start3A_96 : memref<1x128x128xf32, #tpu.memory_space<hbm>> -> memref<128x128xf32, #tpu.memory_space<hbm>>
    %dma_start3A_98 = arith.constant 0 : i32
    %dma_start3A_99 = arith.constant 0 : i32
    %dma_start3A_100 = tpu.memref_slice %arg6[%dma_start3A_82, %dma_start3A_98, %dma_start3A_99] : memref<4x128x128xf32, #tpu.memory_space<vmem>> -> memref<1x128x128xf32, #tpu.memory_space<vmem>>
    %dma_start3A_101 = tpu.memref_squeeze %dma_start3A_100 : memref<1x128x128xf32, #tpu.memory_space<vmem>> -> memref<128x128xf32, #tpu.memory_space<vmem>>
    tpu.enqueue_dma source(%dma_start3A_101 : memref<128x128xf32, #tpu.memory_space<vmem>>) target(%dma_start3A_97 : memref<128x128xf32, #tpu.memory_space<hbm>>) target_semaphore(%dma_start3A_93 : memref<!tpu.dma_semaphore, #tpu.memory_space<semaphore_mem>>)
    %dma_wait3A_102 = arith.constant 0 : i32
    %dma_wait3A_103 = arith.constant 1 : i32
    %dma_wait3A_104 = arith.constant 1 : i32
    %dma_wait3A_105 = arith.constant 0 : i32
    %dma_wait3A_106 = arith.constant 0 : i32
    %dma_wait3A_107 = tpu.memref_slice %arg6[%dma_wait3A_103, %dma_wait3A_105, %dma_wait3A_106] : memref<4x128x128xf32, #tpu.memory_space<vmem>> -> memref<1x128x128xf32, #tpu.memory_space<vmem>>
    %dma_wait3A_108 = tpu.memref_squeeze %dma_wait3A_107 : memref<1x128x128xf32, #tpu.memory_space<vmem>> -> memref<128x128xf32, #tpu.memory_space<vmem>>
    %dma_wait3A_109 = arith.constant 0 : i32
    %dma_wait3A_110 = tpu.memref_slice %arg5[%dma_wait3A_102, %dma_wait3A_109] : memref<104x128xi32, #tpu.memory_space<vmem>> -> memref<1x128xi32, #tpu.memory_space<vmem>>
    %dma_wait3A_111 = tpu.memref_squeeze %dma_wait3A_110 : memref<1x128xi32, #tpu.memory_space<vmem>> -> memref<128xi32, #tpu.memory_space<vmem>>
    %dma_wait3A_112 = arith.constant 0 : i32
    %dma_wait3A_113 = arith.constant 0 : i32
    %dma_wait3A_114 = tpu.memref_slice %arg3[%dma_wait3A_112, %dma_wait3A_113] : memref<1000000x128xf32, #tpu.memory_space<hbm>> -> memref<1000000x128xf32, #tpu.memory_space<hbm>>
    %dma_wait3A_115 = tpu.memref_slice %arg7[%dma_wait3A_104] : memref<4x!tpu.dma_semaphore, #tpu.memory_space<semaphore_mem>> -> memref<1x!tpu.dma_semaphore, #tpu.memory_space<semaphore_mem>>
    %dma_wait3A_116 = tpu.memref_squeeze %dma_wait3A_115 : memref<1x!tpu.dma_semaphore, #tpu.memory_space<semaphore_mem>> -> memref<!tpu.dma_semaphore, #tpu.memory_space<semaphore_mem>>
    tpu.wait_indirect_dma semaphore(%dma_wait3A_116 : memref<!tpu.dma_semaphore, #tpu.memory_space<semaphore_mem>>) src(%dma_wait3A_114 : memref<1000000x128xf32, #tpu.memory_space<hbm>>) dst(%dma_wait3A_108 : memref<128x128xf32, #tpu.memory_space<vmem>>)
    %add3A_117 = arith.constant 101 : i32
    %add3A_118 = arith.addi %mul3A_2, %add3A_117 : i32
    %dma_start3A_119 = arith.constant 1 : i32
    %dma_start3A_120 = arith.constant 1 : i32
    %dma_start3A_121 = arith.constant 0 : i32
    %dma_start3A_122 = arith.constant 0 : i32
    %dma_start3A_123 = tpu.memref_slice %arg6[%dma_start3A_119, %dma_start3A_121, %dma_start3A_122] : memref<4x128x128xf32, #tpu.memory_space<vmem>> -> memref<1x128x128xf32, #tpu.memory_space<vmem>>
    %dma_start3A_124 = tpu.memref_squeeze %dma_start3A_123 : memref<1x128x128xf32, #tpu.memory_space<vmem>> -> memref<128x128xf32, #tpu.memory_space<vmem>>
    %dma_start3A_125 = arith.constant 0 : i32
    %dma_start3A_126 = arith.constant 0 : i32
    %dma_start3A_127 = tpu.memref_slice %arg4[%add3A_118, %dma_start3A_125, %dma_start3A_126] : memref<3328x128x128xf32, #tpu.memory_space<hbm>> -> memref<1x128x128xf32, #tpu.memory_space<hbm>>
    %dma_start3A_128 = tpu.memref_squeeze %dma_start3A_127 : memref<1x128x128xf32, #tpu.memory_space<hbm>> -> memref<128x128xf32, #tpu.memory_space<hbm>>
    %dma_start3A_129 = tpu.memref_slice %arg8[%dma_start3A_120] : memref<4x!tpu.dma_semaphore, #tpu.memory_space<semaphore_mem>> -> memref<1x!tpu.dma_semaphore, #tpu.memory_space<semaphore_mem>>
    %dma_start3A_130 = tpu.memref_squeeze %dma_start3A_129 : memref<1x!tpu.dma_semaphore, #tpu.memory_space<semaphore_mem>> -> memref<!tpu.dma_semaphore, #tpu.memory_space<semaphore_mem>>
    %dma_start3A_131 = arith.constant 0 : i32
    %dma_start3A_132 = arith.constant 0 : i32
    %dma_start3A_133 = tpu.memref_slice %arg4[%add3A_118, %dma_start3A_131, %dma_start3A_132] : memref<3328x128x128xf32, #tpu.memory_space<hbm>> -> memref<1x128x128xf32, #tpu.memory_space<hbm>>
    %dma_start3A_134 = tpu.memref_squeeze %dma_start3A_133 : memref<1x128x128xf32, #tpu.memory_space<hbm>> -> memref<128x128xf32, #tpu.memory_space<hbm>>
    %dma_start3A_135 = arith.constant 0 : i32
    %dma_start3A_136 = arith.constant 0 : i32
    %dma_start3A_137 = tpu.memref_slice %arg6[%dma_start3A_119, %dma_start3A_135, %dma_start3A_136] : memref<4x128x128xf32, #tpu.memory_space<vmem>> -> memref<1x128x128xf32, #tpu.memory_space<vmem>>
    %dma_start3A_138 = tpu.memref_squeeze %dma_start3A_137 : memref<1x128x128xf32, #tpu.memory_space<vmem>> -> memref<128x128xf32, #tpu.memory_space<vmem>>
    tpu.enqueue_dma source(%dma_start3A_138 : memref<128x128xf32, #tpu.memory_space<vmem>>) target(%dma_start3A_134 : memref<128x128xf32, #tpu.memory_space<hbm>>) target_semaphore(%dma_start3A_130 : memref<!tpu.dma_semaphore, #tpu.memory_space<semaphore_mem>>)
    %dma_wait3A_139 = arith.constant 0 : i32
    %dma_wait3A_140 = arith.constant 2 : i32
    %dma_wait3A_141 = arith.constant 2 : i32
    %dma_wait3A_142 = arith.constant 0 : i32
    %dma_wait3A_143 = arith.constant 0 : i32
    %dma_wait3A_144 = tpu.memref_slice %arg6[%dma_wait3A_140, %dma_wait3A_142, %dma_wait3A_143] : memref<4x128x128xf32, #tpu.memory_space<vmem>> -> memref<1x128x128xf32, #tpu.memory_space<vmem>>
    %dma_wait3A_145 = tpu.memref_squeeze %dma_wait3A_144 : memref<1x128x128xf32, #tpu.memory_space<vmem>> -> memref<128x128xf32, #tpu.memory_space<vmem>>
    %dma_wait3A_146 = arith.constant 0 : i32
    %dma_wait3A_147 = tpu.memref_slice %arg5[%dma_wait3A_139, %dma_wait3A_146] : memref<104x128xi32, #tpu.memory_space<vmem>> -> memref<1x128xi32, #tpu.memory_space<vmem>>
    %dma_wait3A_148 = tpu.memref_squeeze %dma_wait3A_147 : memref<1x128xi32, #tpu.memory_space<vmem>> -> memref<128xi32, #tpu.memory_space<vmem>>
    %dma_wait3A_149 = arith.constant 0 : i32
    %dma_wait3A_150 = arith.constant 0 : i32
    %dma_wait3A_151 = tpu.memref_slice %arg3[%dma_wait3A_149, %dma_wait3A_150] : memref<1000000x128xf32, #tpu.memory_space<hbm>> -> memref<1000000x128xf32, #tpu.memory_space<hbm>>
    %dma_wait3A_152 = tpu.memref_slice %arg7[%dma_wait3A_141] : memref<4x!tpu.dma_semaphore, #tpu.memory_space<semaphore_mem>> -> memref<1x!tpu.dma_semaphore, #tpu.memory_space<semaphore_mem>>
    %dma_wait3A_153 = tpu.memref_squeeze %dma_wait3A_152 : memref<1x!tpu.dma_semaphore, #tpu.memory_space<semaphore_mem>> -> memref<!tpu.dma_semaphore, #tpu.memory_space<semaphore_mem>>
    tpu.wait_indirect_dma semaphore(%dma_wait3A_153 : memref<!tpu.dma_semaphore, #tpu.memory_space<semaphore_mem>>) src(%dma_wait3A_151 : memref<1000000x128xf32, #tpu.memory_space<hbm>>) dst(%dma_wait3A_145 : memref<128x128xf32, #tpu.memory_space<vmem>>)
    %add3A_154 = arith.constant 102 : i32
    %add3A_155 = arith.addi %mul3A_2, %add3A_154 : i32
    %dma_start3A_156 = arith.constant 2 : i32
    %dma_start3A_157 = arith.constant 2 : i32
    %dma_start3A_158 = arith.constant 0 : i32
    %dma_start3A_159 = arith.constant 0 : i32
    %dma_start3A_160 = tpu.memref_slice %arg6[%dma_start3A_156, %dma_start3A_158, %dma_start3A_159] : memref<4x128x128xf32, #tpu.memory_space<vmem>> -> memref<1x128x128xf32, #tpu.memory_space<vmem>>
    %dma_start3A_161 = tpu.memref_squeeze %dma_start3A_160 : memref<1x128x128xf32, #tpu.memory_space<vmem>> -> memref<128x128xf32, #tpu.memory_space<vmem>>
    %dma_start3A_162 = arith.constant 0 : i32
    %dma_start3A_163 = arith.constant 0 : i32
    %dma_start3A_164 = tpu.memref_slice %arg4[%add3A_155, %dma_start3A_162, %dma_start3A_163] : memref<3328x128x128xf32, #tpu.memory_space<hbm>> -> memref<1x128x128xf32, #tpu.memory_space<hbm>>
    %dma_start3A_165 = tpu.memref_squeeze %dma_start3A_164 : memref<1x128x128xf32, #tpu.memory_space<hbm>> -> memref<128x128xf32, #tpu.memory_space<hbm>>
    %dma_start3A_166 = tpu.memref_slice %arg8[%dma_start3A_157] : memref<4x!tpu.dma_semaphore, #tpu.memory_space<semaphore_mem>> -> memref<1x!tpu.dma_semaphore, #tpu.memory_space<semaphore_mem>>
    %dma_start3A_167 = tpu.memref_squeeze %dma_start3A_166 : memref<1x!tpu.dma_semaphore, #tpu.memory_space<semaphore_mem>> -> memref<!tpu.dma_semaphore, #tpu.memory_space<semaphore_mem>>
    %dma_start3A_168 = arith.constant 0 : i32
    %dma_start3A_169 = arith.constant 0 : i32
    %dma_start3A_170 = tpu.memref_slice %arg4[%add3A_155, %dma_start3A_168, %dma_start3A_169] : memref<3328x128x128xf32, #tpu.memory_space<hbm>> -> memref<1x128x128xf32, #tpu.memory_space<hbm>>
    %dma_start3A_171 = tpu.memref_squeeze %dma_start3A_170 : memref<1x128x128xf32, #tpu.memory_space<hbm>> -> memref<128x128xf32, #tpu.memory_space<hbm>>
    %dma_start3A_172 = arith.constant 0 : i32
    %dma_start3A_173 = arith.constant 0 : i32
    %dma_start3A_174 = tpu.memref_slice %arg6[%dma_start3A_156, %dma_start3A_172, %dma_start3A_173] : memref<4x128x128xf32, #tpu.memory_space<vmem>> -> memref<1x128x128xf32, #tpu.memory_space<vmem>>
    %dma_start3A_175 = tpu.memref_squeeze %dma_start3A_174 : memref<1x128x128xf32, #tpu.memory_space<vmem>> -> memref<128x128xf32, #tpu.memory_space<vmem>>
    tpu.enqueue_dma source(%dma_start3A_175 : memref<128x128xf32, #tpu.memory_space<vmem>>) target(%dma_start3A_171 : memref<128x128xf32, #tpu.memory_space<hbm>>) target_semaphore(%dma_start3A_167 : memref<!tpu.dma_semaphore, #tpu.memory_space<semaphore_mem>>)
    %dma_wait3A_176 = arith.constant 0 : i32
    %dma_wait3A_177 = arith.constant 3 : i32
    %dma_wait3A_178 = arith.constant 3 : i32
    %dma_wait3A_179 = arith.constant 0 : i32
    %dma_wait3A_180 = arith.constant 0 : i32
    %dma_wait3A_181 = tpu.memref_slice %arg6[%dma_wait3A_177, %dma_wait3A_179, %dma_wait3A_180] : memref<4x128x128xf32, #tpu.memory_space<vmem>> -> memref<1x128x128xf32, #tpu.memory_space<vmem>>
    %dma_wait3A_182 = tpu.memref_squeeze %dma_wait3A_181 : memref<1x128x128xf32, #tpu.memory_space<vmem>> -> memref<128x128xf32, #tpu.memory_space<vmem>>
    %dma_wait3A_183 = arith.constant 0 : i32
    %dma_wait3A_184 = tpu.memref_slice %arg5[%dma_wait3A_176, %dma_wait3A_183] : memref<104x128xi32, #tpu.memory_space<vmem>> -> memref<1x128xi32, #tpu.memory_space<vmem>>
    %dma_wait3A_185 = tpu.memref_squeeze %dma_wait3A_184 : memref<1x128xi32, #tpu.memory_space<vmem>> -> memref<128xi32, #tpu.memory_space<vmem>>
    %dma_wait3A_186 = arith.constant 0 : i32
    %dma_wait3A_187 = arith.constant 0 : i32
    %dma_wait3A_188 = tpu.memref_slice %arg3[%dma_wait3A_186, %dma_wait3A_187] : memref<1000000x128xf32, #tpu.memory_space<hbm>> -> memref<1000000x128xf32, #tpu.memory_space<hbm>>
    %dma_wait3A_189 = tpu.memref_slice %arg7[%dma_wait3A_178] : memref<4x!tpu.dma_semaphore, #tpu.memory_space<semaphore_mem>> -> memref<1x!tpu.dma_semaphore, #tpu.memory_space<semaphore_mem>>
    %dma_wait3A_190 = tpu.memref_squeeze %dma_wait3A_189 : memref<1x!tpu.dma_semaphore, #tpu.memory_space<semaphore_mem>> -> memref<!tpu.dma_semaphore, #tpu.memory_space<semaphore_mem>>
    tpu.wait_indirect_dma semaphore(%dma_wait3A_190 : memref<!tpu.dma_semaphore, #tpu.memory_space<semaphore_mem>>) src(%dma_wait3A_188 : memref<1000000x128xf32, #tpu.memory_space<hbm>>) dst(%dma_wait3A_182 : memref<128x128xf32, #tpu.memory_space<vmem>>)
    %add3A_191 = arith.constant 103 : i32
    %add3A_192 = arith.addi %mul3A_2, %add3A_191 : i32
    %dma_start3A_193 = arith.constant 3 : i32
    %dma_start3A_194 = arith.constant 3 : i32
    %dma_start3A_195 = arith.constant 0 : i32
    %dma_start3A_196 = arith.constant 0 : i32
    %dma_start3A_197 = tpu.memref_slice %arg6[%dma_start3A_193, %dma_start3A_195, %dma_start3A_196] : memref<4x128x128xf32, #tpu.memory_space<vmem>> -> memref<1x128x128xf32, #tpu.memory_space<vmem>>
    %dma_start3A_198 = tpu.memref_squeeze %dma_start3A_197 : memref<1x128x128xf32, #tpu.memory_space<vmem>> -> memref<128x128xf32, #tpu.memory_space<vmem>>
    %dma_start3A_199 = arith.constant 0 : i32
    %dma_start3A_200 = arith.constant 0 : i32
    %dma_start3A_201 = tpu.memref_slice %arg4[%add3A_192, %dma_start3A_199, %dma_start3A_200] : memref<3328x128x128xf32, #tpu.memory_space<hbm>> -> memref<1x128x128xf32, #tpu.memory_space<hbm>>
    %dma_start3A_202 = tpu.memref_squeeze %dma_start3A_201 : memref<1x128x128xf32, #tpu.memory_space<hbm>> -> memref<128x128xf32, #tpu.memory_space<hbm>>
    %dma_start3A_203 = tpu.memref_slice %arg8[%dma_start3A_194] : memref<4x!tpu.dma_semaphore, #tpu.memory_space<semaphore_mem>> -> memref<1x!tpu.dma_semaphore, #tpu.memory_space<semaphore_mem>>
    %dma_start3A_204 = tpu.memref_squeeze %dma_start3A_203 : memref<1x!tpu.dma_semaphore, #tpu.memory_space<semaphore_mem>> -> memref<!tpu.dma_semaphore, #tpu.memory_space<semaphore_mem>>
    %dma_start3A_205 = arith.constant 0 : i32
    %dma_start3A_206 = arith.constant 0 : i32
    %dma_start3A_207 = tpu.memref_slice %arg4[%add3A_192, %dma_start3A_205, %dma_start3A_206] : memref<3328x128x128xf32, #tpu.memory_space<hbm>> -> memref<1x128x128xf32, #tpu.memory_space<hbm>>
    %dma_start3A_208 = tpu.memref_squeeze %dma_start3A_207 : memref<1x128x128xf32, #tpu.memory_space<hbm>> -> memref<128x128xf32, #tpu.memory_space<hbm>>
    %dma_start3A_209 = arith.constant 0 : i32
    %dma_start3A_210 = arith.constant 0 : i32
    %dma_start3A_211 = tpu.memref_slice %arg6[%dma_start3A_193, %dma_start3A_209, %dma_start3A_210] : memref<4x128x128xf32, #tpu.memory_space<vmem>> -> memref<1x128x128xf32, #tpu.memory_space<vmem>>
    %dma_start3A_212 = tpu.memref_squeeze %dma_start3A_211 : memref<1x128x128xf32, #tpu.memory_space<vmem>> -> memref<128x128xf32, #tpu.memory_space<vmem>>
    tpu.enqueue_dma source(%dma_start3A_212 : memref<128x128xf32, #tpu.memory_space<vmem>>) target(%dma_start3A_208 : memref<128x128xf32, #tpu.memory_space<hbm>>) target_semaphore(%dma_start3A_204 : memref<!tpu.dma_semaphore, #tpu.memory_space<semaphore_mem>>)
    %dma_wait3A_213 = arith.constant 0 : i32
    %dma_wait3A_214 = arith.constant 0 : i32
    %dma_wait3A_215 = arith.constant 0 : i32
    %dma_wait3A_216 = arith.constant 0 : i32
    %dma_wait3A_217 = arith.constant 0 : i32
    %dma_wait3A_218 = tpu.memref_slice %arg6[%dma_wait3A_213, %dma_wait3A_216, %dma_wait3A_217] : memref<4x128x128xf32, #tpu.memory_space<vmem>> -> memref<1x128x128xf32, #tpu.memory_space<vmem>>
    %dma_wait3A_219 = tpu.memref_squeeze %dma_wait3A_218 : memref<1x128x128xf32, #tpu.memory_space<vmem>> -> memref<128x128xf32, #tpu.memory_space<vmem>>
    %dma_wait3A_220 = arith.constant 0 : i32
    %dma_wait3A_221 = arith.constant 0 : i32
    %dma_wait3A_222 = tpu.memref_slice %arg4[%dma_wait3A_214, %dma_wait3A_220, %dma_wait3A_221] : memref<3328x128x128xf32, #tpu.memory_space<hbm>> -> memref<1x128x128xf32, #tpu.memory_space<hbm>>
    %dma_wait3A_223 = tpu.memref_squeeze %dma_wait3A_222 : memref<1x128x128xf32, #tpu.memory_space<hbm>> -> memref<128x128xf32, #tpu.memory_space<hbm>>
    %dma_wait3A_224 = tpu.memref_slice %arg8[%dma_wait3A_215] : memref<4x!tpu.dma_semaphore, #tpu.memory_space<semaphore_mem>> -> memref<1x!tpu.dma_semaphore, #tpu.memory_space<semaphore_mem>>
    %dma_wait3A_225 = tpu.memref_squeeze %dma_wait3A_224 : memref<1x!tpu.dma_semaphore, #tpu.memory_space<semaphore_mem>> -> memref<!tpu.dma_semaphore, #tpu.memory_space<semaphore_mem>>
    %dma_wait3A_226 = arith.constant 0 : i32
    %dma_wait3A_227 = arith.constant 0 : i32
    %dma_wait3A_228 = tpu.memref_slice %arg4[%dma_wait3A_214, %dma_wait3A_226, %dma_wait3A_227] : memref<3328x128x128xf32, #tpu.memory_space<hbm>> -> memref<1x128x128xf32, #tpu.memory_space<hbm>>
    %dma_wait3A_229 = tpu.memref_squeeze %dma_wait3A_228 : memref<1x128x128xf32, #tpu.memory_space<hbm>> -> memref<128x128xf32, #tpu.memory_space<hbm>>
    %dma_wait3A_230 = arith.constant 0 : i32
    %dma_wait3A_231 = arith.constant 0 : i32
    %dma_wait3A_232 = tpu.memref_slice %arg6[%dma_wait3A_213, %dma_wait3A_230, %dma_wait3A_231] : memref<4x128x128xf32, #tpu.memory_space<vmem>> -> memref<1x128x128xf32, #tpu.memory_space<vmem>>
    %dma_wait3A_233 = tpu.memref_squeeze %dma_wait3A_232 : memref<1x128x128xf32, #tpu.memory_space<vmem>> -> memref<128x128xf32, #tpu.memory_space<vmem>>
    tpu.wait_dma2 semaphore(%dma_wait3A_225 : memref<!tpu.dma_semaphore, #tpu.memory_space<semaphore_mem>>) src(%dma_wait3A_233 : memref<128x128xf32, #tpu.memory_space<vmem>>) dst(%dma_wait3A_229 : memref<128x128xf32, #tpu.memory_space<hbm>>)
    %dma_wait3A_234 = arith.constant 1 : i32
    %dma_wait3A_235 = arith.constant 0 : i32
    %dma_wait3A_236 = arith.constant 1 : i32
    %dma_wait3A_237 = arith.constant 0 : i32
    %dma_wait3A_238 = arith.constant 0 : i32
    %dma_wait3A_239 = tpu.memref_slice %arg6[%dma_wait3A_234, %dma_wait3A_237, %dma_wait3A_238] : memref<4x128x128xf32, #tpu.memory_space<vmem>> -> memref<1x128x128xf32, #tpu.memory_space<vmem>>
    %dma_wait3A_240 = tpu.memref_squeeze %dma_wait3A_239 : memref<1x128x128xf32, #tpu.memory_space<vmem>> -> memref<128x128xf32, #tpu.memory_space<vmem>>
    %dma_wait3A_241 = arith.constant 0 : i32
    %dma_wait3A_242 = arith.constant 0 : i32
    %dma_wait3A_243 = tpu.memref_slice %arg4[%dma_wait3A_235, %dma_wait3A_241, %dma_wait3A_242] : memref<3328x128x128xf32, #tpu.memory_space<hbm>> -> memref<1x128x128xf32, #tpu.memory_space<hbm>>
    %dma_wait3A_244 = tpu.memref_squeeze %dma_wait3A_243 : memref<1x128x128xf32, #tpu.memory_space<hbm>> -> memref<128x128xf32, #tpu.memory_space<hbm>>
    %dma_wait3A_245 = tpu.memref_slice %arg8[%dma_wait3A_236] : memref<4x!tpu.dma_semaphore, #tpu.memory_space<semaphore_mem>> -> memref<1x!tpu.dma_semaphore, #tpu.memory_space<semaphore_mem>>
    %dma_wait3A_246 = tpu.memref_squeeze %dma_wait3A_245 : memref<1x!tpu.dma_semaphore, #tpu.memory_space<semaphore_mem>> -> memref<!tpu.dma_semaphore, #tpu.memory_space<semaphore_mem>>
    %dma_wait3A_247 = arith.constant 0 : i32
    %dma_wait3A_248 = arith.constant 0 : i32
    %dma_wait3A_249 = tpu.memref_slice %arg4[%dma_wait3A_235, %dma_wait3A_247, %dma_wait3A_248] : memref<3328x128x128xf32, #tpu.memory_space<hbm>> -> memref<1x128x128xf32, #tpu.memory_space<hbm>>
    %dma_wait3A_250 = tpu.memref_squeeze %dma_wait3A_249 : memref<1x128x128xf32, #tpu.memory_space<hbm>> -> memref<128x128xf32, #tpu.memory_space<hbm>>
    %dma_wait3A_251 = arith.constant 0 : i32
    %dma_wait3A_252 = arith.constant 0 : i32
    %dma_wait3A_253 = tpu.memref_slice %arg6[%dma_wait3A_234, %dma_wait3A_251, %dma_wait3A_252] : memref<4x128x128xf32, #tpu.memory_space<vmem>> -> memref<1x128x128xf32, #tpu.memory_space<vmem>>
    %dma_wait3A_254 = tpu.memref_squeeze %dma_wait3A_253 : memref<1x128x128xf32, #tpu.memory_space<vmem>> -> memref<128x128xf32, #tpu.memory_space<vmem>>
    tpu.wait_dma2 semaphore(%dma_wait3A_246 : memref<!tpu.dma_semaphore, #tpu.memory_space<semaphore_mem>>) src(%dma_wait3A_254 : memref<128x128xf32, #tpu.memory_space<vmem>>) dst(%dma_wait3A_250 : memref<128x128xf32, #tpu.memory_space<hbm>>)
    %dma_wait3A_255 = arith.constant 2 : i32
    %dma_wait3A_256 = arith.constant 0 : i32
    %dma_wait3A_257 = arith.constant 2 : i32
    %dma_wait3A_258 = arith.constant 0 : i32
    %dma_wait3A_259 = arith.constant 0 : i32
    %dma_wait3A_260 = tpu.memref_slice %arg6[%dma_wait3A_255, %dma_wait3A_258, %dma_wait3A_259] : memref<4x128x128xf32, #tpu.memory_space<vmem>> -> memref<1x128x128xf32, #tpu.memory_space<vmem>>
    %dma_wait3A_261 = tpu.memref_squeeze %dma_wait3A_260 : memref<1x128x128xf32, #tpu.memory_space<vmem>> -> memref<128x128xf32, #tpu.memory_space<vmem>>
    %dma_wait3A_262 = arith.constant 0 : i32
    %dma_wait3A_263 = arith.constant 0 : i32
    %dma_wait3A_264 = tpu.memref_slice %arg4[%dma_wait3A_256, %dma_wait3A_262, %dma_wait3A_263] : memref<3328x128x128xf32, #tpu.memory_space<hbm>> -> memref<1x128x128xf32, #tpu.memory_space<hbm>>
    %dma_wait3A_265 = tpu.memref_squeeze %dma_wait3A_264 : memref<1x128x128xf32, #tpu.memory_space<hbm>> -> memref<128x128xf32, #tpu.memory_space<hbm>>
    %dma_wait3A_266 = tpu.memref_slice %arg8[%dma_wait3A_257] : memref<4x!tpu.dma_semaphore, #tpu.memory_space<semaphore_mem>> -> memref<1x!tpu.dma_semaphore, #tpu.memory_space<semaphore_mem>>
    %dma_wait3A_267 = tpu.memref_squeeze %dma_wait3A_266 : memref<1x!tpu.dma_semaphore, #tpu.memory_space<semaphore_mem>> -> memref<!tpu.dma_semaphore, #tpu.memory_space<semaphore_mem>>
    %dma_wait3A_268 = arith.constant 0 : i32
    %dma_wait3A_269 = arith.constant 0 : i32
    %dma_wait3A_270 = tpu.memref_slice %arg4[%dma_wait3A_256, %dma_wait3A_268, %dma_wait3A_269] : memref<3328x128x128xf32, #tpu.memory_space<hbm>> -> memref<1x128x128xf32, #tpu.memory_space<hbm>>
    %dma_wait3A_271 = tpu.memref_squeeze %dma_wait3A_270 : memref<1x128x128xf32, #tpu.memory_space<hbm>> -> memref<128x128xf32, #tpu.memory_space<hbm>>
    %dma_wait3A_272 = arith.constant 0 : i32
    %dma_wait3A_273 = arith.constant 0 : i32
    %dma_wait3A_274 = tpu.memref_slice %arg6[%dma_wait3A_255, %dma_wait3A_272, %dma_wait3A_273] : memref<4x128x128xf32, #tpu.memory_space<vmem>> -> memref<1x128x128xf32, #tpu.memory_space<vmem>>
    %dma_wait3A_275 = tpu.memref_squeeze %dma_wait3A_274 : memref<1x128x128xf32, #tpu.memory_space<vmem>> -> memref<128x128xf32, #tpu.memory_space<vmem>>
    tpu.wait_dma2 semaphore(%dma_wait3A_267 : memref<!tpu.dma_semaphore, #tpu.memory_space<semaphore_mem>>) src(%dma_wait3A_275 : memref<128x128xf32, #tpu.memory_space<vmem>>) dst(%dma_wait3A_271 : memref<128x128xf32, #tpu.memory_space<hbm>>)
    %dma_wait3A_276 = arith.constant 3 : i32
    %dma_wait3A_277 = arith.constant 0 : i32
    %dma_wait3A_278 = arith.constant 3 : i32
    %dma_wait3A_279 = arith.constant 0 : i32
    %dma_wait3A_280 = arith.constant 0 : i32
    %dma_wait3A_281 = tpu.memref_slice %arg6[%dma_wait3A_276, %dma_wait3A_279, %dma_wait3A_280] : memref<4x128x128xf32, #tpu.memory_space<vmem>> -> memref<1x128x128xf32, #tpu.memory_space<vmem>>
    %dma_wait3A_282 = tpu.memref_squeeze %dma_wait3A_281 : memref<1x128x128xf32, #tpu.memory_space<vmem>> -> memref<128x128xf32, #tpu.memory_space<vmem>>
    %dma_wait3A_283 = arith.constant 0 : i32
    %dma_wait3A_284 = arith.constant 0 : i32
    %dma_wait3A_285 = tpu.memref_slice %arg4[%dma_wait3A_277, %dma_wait3A_283, %dma_wait3A_284] : memref<3328x128x128xf32, #tpu.memory_space<hbm>> -> memref<1x128x128xf32, #tpu.memory_space<hbm>>
    %dma_wait3A_286 = tpu.memref_squeeze %dma_wait3A_285 : memref<1x128x128xf32, #tpu.memory_space<hbm>> -> memref<128x128xf32, #tpu.memory_space<hbm>>
    %dma_wait3A_287 = tpu.memref_slice %arg8[%dma_wait3A_278] : memref<4x!tpu.dma_semaphore, #tpu.memory_space<semaphore_mem>> -> memref<1x!tpu.dma_semaphore, #tpu.memory_space<semaphore_mem>>
    %dma_wait3A_288 = tpu.memref_squeeze %dma_wait3A_287 : memref<1x!tpu.dma_semaphore, #tpu.memory_space<semaphore_mem>> -> memref<!tpu.dma_semaphore, #tpu.memory_space<semaphore_mem>>
    %dma_wait3A_289 = arith.constant 0 : i32
    %dma_wait3A_290 = arith.constant 0 : i32
    %dma_wait3A_291 = tpu.memref_slice %arg4[%dma_wait3A_277, %dma_wait3A_289, %dma_wait3A_290] : memref<3328x128x128xf32, #tpu.memory_space<hbm>> -> memref<1x128x128xf32, #tpu.memory_space<hbm>>
    %dma_wait3A_292 = tpu.memref_squeeze %dma_wait3A_291 : memref<1x128x128xf32, #tpu.memory_space<hbm>> -> memref<128x128xf32, #tpu.memory_space<hbm>>
    %dma_wait3A_293 = arith.constant 0 : i32
    %dma_wait3A_294 = arith.constant 0 : i32
    %dma_wait3A_295 = tpu.memref_slice %arg6[%dma_wait3A_276, %dma_wait3A_293, %dma_wait3A_294] : memref<4x128x128xf32, #tpu.memory_space<vmem>> -> memref<1x128x128xf32, #tpu.memory_space<vmem>>
    %dma_wait3A_296 = tpu.memref_squeeze %dma_wait3A_295 : memref<1x128x128xf32, #tpu.memory_space<vmem>> -> memref<128x128xf32, #tpu.memory_space<vmem>>
    tpu.wait_dma2 semaphore(%dma_wait3A_288 : memref<!tpu.dma_semaphore, #tpu.memory_space<semaphore_mem>>) src(%dma_wait3A_296 : memref<128x128xf32, #tpu.memory_space<vmem>>) dst(%dma_wait3A_292 : memref<128x128xf32, #tpu.memory_space<hbm>>)
    return
  }
}

</mosaic_0001>

<sc_bundles>
// kernel: kernel.3.cloned.1.call-start
scs
__scs_entry_jumppad:
0x0: {  	(pc) =	sbr.rel $0x88, $3  }
0x1: {  	(tag) =	ssettag $0x0;
	lr =	simm.s32 $0x1  }
0x2: {  	[smem:$0x3F9F] =	sst lr;
	_ =	strace $0xD0000000  }
0x3: {  	_ = 	snop  }
0x4: {  	_ = 	snop  }
0x5: {  	_ = 	snop  }
0x6: {  	_ = 	snop  }
0x7: {  	_ = 	snop  }
__scs_overlays_trampoline_lowered:
0x8: {  	[smem:$0x3FAE] =	sst s0  }
0x9: {  	[smem:$0x3FAF] =	sst s1  }
0xa: {  	[smem:$0x3FB0] =	sst s2  }
0xb: {  	[smem:$0x3FB1] =	sst s3  }
0xc: {  	[smem:$0x3FB2] =	sst s4  }
0xd: {  	[smem:$0x3FB3] =	sst s5  }
0xe: {  	[smem:$0x3FB4] =	sst s6  }
0xf: {  	[smem:$0x3FB5] =	sst s7  }
0x10: {  	[smem:$0x3FB6] =	sst s8  }
0x11: {  	[smem:$0x3FB7] =	sst s9;
	s0 =	simm.s32 @!p0 $0x0  }
0x12: {  	s1 =	sld [smem:$0x3F9D];
	s0 =	simm.s32 @p0 $0x1  }
0x13: {  	[smem:$0x3FB8] =	sst s0;
	s0 =	simm.s32 @!p1 $0x0  }
0x14: {  	s2 =	sld [smem:$0x3F9C];
	s0 =	simm.s32 @p1 $0x1  }
0x15: {  	[smem:$0x3FB9] =	sst s0;
	s0 =	simm.s32 @!p2 $0x0  }
0x16: {  	s3 =	sld [smem:$0x3FDB];
	s0 =	simm.s32 @p2 $0x1  }
0x17: {  	s4 =	simm.s32 $0x1BF5;
	[smem:$0x3FBB] =	sst s0  }
0x18: {  	s0 =	sld [smem:$0x3F9E];
	_ =	swait.ge [sflag:s4], $0x0  }
0x19: {  	s7 =	sld [smem:$0x3F9F]  }
0x1a: {  	s8 =	sadd.s32 $0xFFFFE003, lr  }
0x1b: {  	s9 =	sadd.s32 $0xFFFFFEF7, lr;
	s5 =	simm.s32 $0xFFFFFFFF;
	p2 =	slt.u32 s8, $0xFFFFF086  }
0x1c: {  	p1 =	slt.u32 s9, $0xF7A;
	s5 =	simm.s32 @!p2 $0x0  }
0x1d: {  	s5 =	simm.s32 @p1 $0x1;
	p0 =	seq.s32 s7, s2  }
0x1e: {  	s7 =	smul.u32 @!p0 $0xF7A, s2;
	p2 =	seq.s32 @!p0 s5, $0x0  }
0x1f: {  	s9 =	smul.u32 $0xF7A, s1;
	s8 =	simm.s32 @!p0 $0x1BF5;
	p2 =	por !p2, p0  }
0x20: {  	[sflag:s8] =	ssyncset.s32 @!p0 $0xFFFFF086;
	s6 =	sadd.s32 @!p0 s3, s7;
	s7 =	simm.s32 @!p0 $0x108  }
0x21: {  	s3 =	sadd.s32 s3, s9;
	s6 =	sadd.s32 @!p0 $0x88, s6;
	s7 =	simm.s32 @p2 $0x1082  }
0x22: {  	[simem:s7], [sflag:s8] =	dma.local @!p0 [hbm:s6], $0xF7A  }
0x23: {  	s9 =	sor.u32 $0xD0000000, s2;
	s6 =	simm.s32 $0x108;
	_ =	swait.ge @!p0 [sflag:s8], $0x0  }
0x24: {  	s3 =	sadd.s32 $0x88, s3;
	s6 =	simm.s32 @!p1 $0x1082;
	[sflag:s4] =	ssyncset.s32 $0xFFFFF086  }
0x25: {  	[simem:s6], [sflag:s4] =	dma.local [hbm:s3], $0xF7A  }
0x26: {  	[smem:$0x3F9F] =	sst s1;
	(tag) =	ssettag s2;
	_ =	strace s9  }
0x27: {  	s1 =	sld [smem:$0x3FAF]  }
0x28: {  	s2 =	sld [smem:$0x3FB0]  }
0x29: {  	s4 =	sld [smem:$0x3FB2]  }
0x2a: {  	p0 =	seq.s32 s5, $0x0;
	s5 =	sld [smem:$0x3FB3]  }
0x2b: {  	s6 =	sld [smem:$0x3FB4]  }
0x2c: {  	s7 =	sld [smem:$0x3FB5]  }
0x2d: {  	s3 =	simm.s32 $0x108;
	s8 =	sld [smem:$0x3FB6]  }
0x2e: {  	s3 =	simm.s32 @!p0 $0x1082;
	s9 =	sld [smem:$0x3FB7]  }
0x2f: {  	lr =	sadd.s32 s0, s3;
	s0 =	sld [smem:$0x3FAE]  }
0x30: {  	s3 =	sld [smem:$0x3FB1]  }
0x31: {  	[smem:$0x3FBA] =	sst s10  }
0x32: {  	s10 =	sld [smem:$0x3FB8];
	_ =	sdelay $0x3  }
0x33: {  	p0 =	seq.s32 s10, $0x1;
	s10 =	sld [smem:$0x3FBA];
	_ =	sdelay $0x3  }
0x34: {  	[smem:$0x3FBA] =	sst s10  }
0x35: {  	s10 =	sld [smem:$0x3FB9];
	_ =	sdelay $0x3  }
0x36: {  	p1 =	seq.s32 s10, $0x1;
	s10 =	sld [smem:$0x3FBA];
	_ =	sdelay $0x3  }
0x37: {  	[smem:$0x3FBA] =	sst s10  }
0x38: {  	s10 =	sld [smem:$0x3FBB]  }
0x39: {  	_ = 	snop;
	(pc) =	sbr.ind lr, $3  }
0x3a: {  	_ = 	snop  }
0x3b: {  	_ = 	snop  }
0x3c: {  	p2 =	seq.s32 s10, $0x1;
	s10 =	sld [smem:$0x3FBA]  }
0x3d: {  	_ =	shalt  }
0x3e: {  	_ =	shalt  }
0x3f: {  	_ =	shalt  }
0x40: {  	_ =	shalt  }
0x41: {  	_ =	shalt  }
0x42: {  	_ =	shalt  }
0x43: {  	_ =	shalt  }
0x44: {  	_ =	shalt  }
0x45: {  	_ =	shalt  }
0x46: {  	_ =	shalt  }
0x47: {  	_ =	shalt  }
0x48: {  	_ =	shalt  }
0x49: {  	_ =	shalt  }
0x4a: {  	_ =	shalt  }
0x4b: {  	_ =	shalt  }
0x4c: {  	_ =	shalt  }
0x4d: {  	_ =	shalt  }
0x4e: {  	_ =	shalt  }
0x4f: {  	_ =	shalt  }
0x50: {  	_ =	shalt  }
0x51: {  	_ =	shalt  }
0x52: {  	_ =	shalt  }
0x53: {  	_ =	shalt  }
0x54: {  	_ =	shalt  }
0x55: {  	_ =	shalt  }
0x56: {  	_ =	shalt  }
0x57: {  	_ =	shalt  }
0x58: {  	_ =	shalt  }
0x59: {  	_ =	shalt  }
0x5a: {  	_ =	shalt  }
0x5b: {  	_ =	shalt  }
0x5c: {  	_ =	shalt  }
0x5d: {  	_ =	shalt  }
0x5e: {  	_ =	shalt  }
0x5f: {  	_ =	shalt  }
0x60: {  	_ =	shalt  }
0x61: {  	_ =	shalt  }
0x62: {  	_ =	shalt  }
0x63: {  	_ =	shalt  }
0x64: {  	_ =	shalt  }
0x65: {  	_ =	shalt  }
0x66: {  	_ =	shalt  }
0x67: {  	_ =	shalt  }
0x68: {  	_ =	shalt  }
0x69: {  	_ =	shalt  }
0x6a: {  	_ =	shalt  }
0x6b: {  	_ =	shalt  }
0x6c: {  	_ =	shalt  }
0x6d: {  	_ =	shalt  }
0x6e: {  	_ =	shalt  }
0x6f: {  	_ =	shalt  }
0x70: {  	_ =	shalt  }
0x71: {  	_ =	shalt  }
0x72: {  	_ =	shalt  }
0x73: {  	_ =	shalt  }
0x74: {  	_ =	shalt  }
0x75: {  	_ =	shalt  }
0x76: {  	_ =	shalt  }
0x77: {  	_ =	shalt  }
0x78: {  	_ =	shalt  }
0x79: {  	_ =	shalt  }
0x7a: {  	_ =	shalt  }
0x7b: {  	_ =	shalt  }
0x7c: {  	_ =	shalt  }
0x7d: {  	_ =	shalt  }
0x7e: {  	_ =	shalt  }
0x7f: {  	_ =	shalt  }
0x80: {  	_ =	shalt  }
0x81: {  	_ =	shalt  }
0x82: {  	_ =	shalt  }
0x83: {  	_ =	shalt  }
0x84: {  	_ =	shalt  }
0x85: {  	_ =	shalt  }
0x86: {  	_ =	shalt  }
0x87: {  	_ =	shalt  }
.Lfunc_end0:
.L_simem_size_0:
called_computation.1_lowered:
.L_overlay_start_0:
0x88: {  	s2 =	sld [smem:$0x3FD9]  }
0x89: {  	s3 =	sld [smem:$0x3FFE];
	_ =	sdelay $0x1  }
0x8a: {  	s1 =	srdreg.scid  }
0x8b: {  	s0 =	sand.u32 $0x1, s1  }
0x8c: {  	s17 =	sshll.u32 s0, $0xA;
	s2 =	sadd.s32 s3, s2  }
0x8d: {  	s2 =	sadd.s32 s2, s17  }
0x8e: {  	[smem:$0x3FC6] =	sst s2  }
0x8f: {  	_ = 	snop  }
0x90: {  	s2 =	sld [smem:$0x3FD0];
	(tm) =	ssettm $0x1  }
0x91: {  	s18 =	sld [smem:$0x3FFB];
	_ =	sdelay $0x3  }
0x92: {  	_ =	strace s18  }
0x93: {  	s3 =	sld [smem:$0x3FFC];
	_ =	sdelay $0x3  }
0x94: {  	_ =	strace s3  }
0x95: {  	s3 =	sld [smem:$0x3FFD];
	_ =	sdelay $0x3  }
0x96: {  	_ =	strace s3  }
0x97: {  	_ =	strace $0x8FFFFFFF  }
0x98: {  	s19 =	sld [smem:$0x3FDB];
	_ =	sdelay $0x1  }
0x99: {  	s4 =	simm.s32 $_scs_section_size  }
0x9a: {  	s5 =	simm.s32 $_size__tile_overlayer_lowered;
	s6 =	simm.s32 $_tile_overlayer_lowered  }
0x9b: {  	s22 =	simm.s32 $0x1BFF;
	s21 =	sshll.u32 s6, $0x1;
	s3 =	sadd.s32 s4, s19  }
0x9c: {  	s7 =	simm.s32 $0x0;
	s20 =	sshll.u32 s5, $0x1;
	s5 =	sadd.s32 s21, s3  }
0x9d: {  	[timem:s7], [sflag:s22] =	dma.local [hbm:s5], s20  }
0x9e: {  	_ =	swait.ge [sflag:s22], s20  }
0x9f: {  	s4 =	ssub.s32 $0x0, s20;
	[sflag:s22] =	ssyncset.done $0x0  }
0xa0: {  	[sflag:s22] =	ssyncadd.s32 s4;
	_ =	sdelay $0x1  }
0xa1: {  	s23 =	simm.s32 $0x1B8B  }
0xa2: {  	_ =	swait.ge [sflag:s23], $0x1  }
0xa3: {  	[sflag:s23] =	ssyncset.done $0x0  }
0xa4: {  	s25 =	simm.s32 $0x1B8E;
	s24 =	sld [smem:$0x3FFE];
	[sflag:s23] =	ssyncadd.s32 $0xFFFFFFFF  }
0xa5: {  	s26 =	simm.s32 $execute0_lowered;
	[smem:$0x3FD2] =	sst s25  }
0xa6: {  	s5 =	sshll.u32 s26, $0x1;
	_ =	strace $0x80000046;
	[dreg:$0x1] =	wrdreg $0xFFFFFFFF  }
0xa7: {  	s28 =	simm.s32 $_size_execute0_lowered;
	s3 =	sadd.s32 s3, s5;
	[dreg:$0x0] =	wrdreg $0x0  }
0xa8: {  	s5 =	sshll.u32 s28, $0x1;
	[dreg:$0x2] =	wrdreg s3  }
0xa9: {  	[dreg:$0x3] =	wrdreg s5  }
0xaa: {  	[dreg:$0x4] =	wrdreg $0xC0  }
0xab: {  	_ =	task [dreg:s7], $0x5FFFF  }
0xac: {  	[dreg:$0x1] =	wrdreg $0xFFFFFFFF  }
0xad: {  	[dreg:$0x0] =	wrdreg $0x60  }
0xae: {  	[dreg:$0x2] =	wrdreg s2  }
0xaf: {  	[dreg:$0x3] =	wrdreg s24  }
0xb0: {  	[dreg:$0x4] =	wrdreg $0x9  }
0xb1: {  	_ =	task.clear_ibuf [dreg:s7], $0x5FFFF;
	_ =	strace $0x90000046  }
0xb2: {  	s29 =	simm.s32 $0x9;
	_ =	strace $0x80000048  }
0xb3: {  	_ =	swait.ge [sflag:s29], $0x1  }
0xb4: {  	[sflag:s29] =	ssyncadd.s32 $0xFFFFFFFF  }
0xb5: {  	_ =	strace $0x90000048  }
0xb6: {  	_ =	sfence  }
0xb7: {  	s30 =	sld [smem:$0x0];
	_ =	sdelay $0x2  }
0xb8: {  	s31 =	sshll.u32 s1, $0xD;
	s1 =	sshrl.u32 s1, $0x2  }
0xb9: {  	s3 =	sand.u32 $0x4000, s31;
	s1 =	sadd.s32 s1, s30  }
0xba: {  	s0 =	sor.u32 s3, s0;
	s1 =	sshll.u32 s1, $0x11  }
0xbb: {  	s0 =	sor.u32 s1, s0  }
0xbc: {  	s0 =	sadd.s32 $0x8F2B, s0  }
0xbd: {  	[sflag:s0] =	ssyncadd.remote.s32 $0x1  }
0xbe: {  	_ =	sfence.sel $0xFFFF  }
0xbf: {  	[dreg:$0x0] =	wrdreg $0xFFFFFFFF;
	(pc) =	sbr.abs _section_cstart, $3  }
0xc0: {  	[dreg:$0x1] =	wrdreg $0xFFFFFFFF  }
0xc1: {  	_ =	task.clear_ibuf [dreg:s7], $0x2FFFF;
	_ =	strace $0x9FFFFFFF  }
0xc2: {  	(tm) =	ssettm $0x7FFFFFFF  }
0xc3: {  	_ =	shalt  }
tec
execute0_lowered:
.L_overlay_start_1:
0x0: {  	(tag) =	ssettag $0x1  }
0x1: {  	s0 =	rddreg [dreg:$0x0]  }
0x2: {  	s1 =	rddreg [dreg:$0x1]  }
0x3: {  	s3 =	srdreg.scid;
	s13 =	stileid.u32  }
0x4: {  	s2 =	simm.s32 $0x0;
	s14 =	simm.s32 $0x80;
	s15 =	simm.s32 $0x3400  }
0x5: {  	s16 =	simm.s32 $0x7400;
	s18 =	simm.s32 $0xB400;
	s20 =	simm.s32 $0xF400  }
0x6: {  	s21 =	simm.s32 $0x1;
	s22 =	simm.s32 $0x5;
	s23 =	simm.s32 $0x2  }
0x7: {  	s28 =	simm.s32 $0x4;
	s29 =	simm.s32 $0x8;
	s8 =	smul.u32 $0xD0, s13  }
0x8: {  	s10 =	sand.u32 $0x1, s3;
	s24 =	sshll.u32 s13, $0x1;
	s13 =	smul.u32 $0x68000, s13  }
0x9: {  	s30 =	simm.s32 $0x0;
	[smem:$0x7FF] =	sst s2;
	s11 =	smul.u32 $0x68, s10  }
0xa: {  	s3 =	sadd.s32 $0xF42E00, s1;
	s4 =	sor.u32 s10, s24;
	s26 =	smul.u32 $0x34000, s10  }
0xb: {  	s1 =	sadd.s32 $0xA00, s1;
	_ =	strace $0x80000047;
	s5 =	smul.u32 $0x1A0000, s4  }
0xc: {  	s6 =	ssub.s32 $0x2, s10;
	s24 =	simm.s32 $0x6;
	s4 =	smul.u32 $0x680, s4  }
0xd: {  	s7 =	sshrl.u32 s6, $0x1;
	s31 =	sadd.s32 s13, s1;
	s13 =	simm.s32 $0x9  }
0xe: {  	s12 =	ssub.s32 s6, s7;
	s5 =	sshrl.u32 s5, $0x3;
	s0 =	sadd.s32 s0, s4  }
0xf: {  	s25 =	sadd.s32 s11, s8;
	s9 =	sadd.s32 s1, s5;
	[dreg:$0x3] =	wrdreg s0  }
0x10: {  	s0 =	sshll.u32 s25, $0xB;
	s25 =	simm.s32 $0x3;
	s5 =	sadd.s32 $0x32000, s9  }
0x11: {  	s6 =	sadd.s32 $0x32800, s9;
	s7 =	sadd.s32 $0x33000, s9;
	s8 =	sadd.s32 $0x33800, s9  }
0x12: {  	s9 =	smax.u32 s12, $0x1;
	s0 =	sadd.s32 s0, s1;
	s12 =	sadd.s32 s26, s31  }
0x13: {  	s26 =	simm.s32 $0x7;
	s10 =	sadd.s32 $0x1800, s0;
	s11 =	sadd.s32 $0x1000, s0  }
.LBB2_1:
0x14: {  	s0 =	rddreg [dreg:$0x3]  }
0x15: {  	[tilespmem:s2], [sflag:$0x9] =	stream.linear.gather [hbm4b:s0+s2], $0x3400, $0x38;
	[tilespmem:$0x13400] =	vst v63  }
0x16: {  	_ =	swait.ge [sflag:s13], $0x3400  }
0x17: {  	[sflag:s13] =	ssyncset.done $0x0  }
0x18: {  	[sflag:s13] =	ssyncadd.s32 $0xFFFFCC00  }
0x19: {  	[tilespmem:s15], [sflag:$0x1] =	stream.indirect.gather [hbm4b:s3+s14], $0x80, s2, s14, $0xb8;
	[tilespmem:$0x13400] =	vst v63  }
0x1a: {  	_ = 	snop  }
0x1b: {  	[tilespmem:s16], [sflag:$0x2] =	stream.indirect.gather [hbm4b:s3+s14], $0x80, s14, s14, $0xb8;
	[tilespmem:$0x13400] =	vst v63  }
0x1c: {  	s17 =	simm.s32 $0x100  }
0x1d: {  	[tilespmem:s18], [sflag:$0x3] =	stream.indirect.gather [hbm4b:s3+s14], $0x80, s17, s14, $0xb8;
	[tilespmem:$0x13400] =	vst v63  }
0x1e: {  	s19 =	simm.s32 $0x180  }
0x1f: {  	[tilespmem:s20], [sflag:$0x4] =	stream.indirect.gather [hbm4b:s3+s14], $0x80, s19, s14, $0xb8;
	[tilespmem:$0x13400] =	vst v63  }
0x20: {  	_ =	swait.ge [sflag:s21], $0x4000  }
0x21: {  	[sflag:s21] =	ssyncset.done $0x0  }
0x22: {  	[sflag:s21] =	ssyncadd.s32 $0xFFFFC000  }
0x23: {  	[hbm4b:s12+s2] =	stream.linear.scatter [tilespmem:s15], [sflag:$0x5], $0x4000, $0x38;
	[tilespmem:$0x13400] =	vst v63  }
0x24: {  	_ =	swait.ge [sflag:s22], $0x4000  }
0x25: {  	[sflag:s22] =	ssyncset.done $0x0  }
0x26: {  	s1 =	simm.s32 $0x200;
	[sflag:s22] =	ssyncadd.s32 $0xFFFFC000  }
0x27: {  	[tilespmem:s15], [sflag:$0x1] =	stream.indirect.gather [hbm4b:s3+s14], $0x80, s1, s14, $0xb8;
	[tilespmem:$0x13400] =	vst v63  }
0x28: {  	_ =	swait.ge [sflag:s23], $0x4000  }
0x29: {  	[sflag:s23] =	ssyncset.done $0x0  }
0x2a: {  	s4 =	sadd.s32 $0xFFFFF000, s10;
	[sflag:s23] =	ssyncadd.s32 $0xFFFFC000  }
0x2b: {  	[hbm4b:s4+s2] =	stream.linear.scatter [tilespmem:s16], [sflag:$0x6], $0x4000, $0x38;
	[tilespmem:$0x13400] =	vst v63  }
0x2c: {  	_ =	swait.ge [sflag:s24], $0x4000  }
0x2d: {  	[sflag:s24] =	ssyncset.done $0x0  }
0x2e: {  	s17 =	simm.s32 $0x280;
	[sflag:s24] =	ssyncadd.s32 $0xFFFFC000  }
0x2f: {  	[tilespmem:s16], [sflag:$0x2] =	stream.indirect.gather [hbm4b:s3+s14], $0x80, s17, s14, $0xb8;
	[tilespmem:$0x13400] =	vst v63  }
0x30: {  	_ =	swait.ge [sflag:s25], $0x4000  }
0x31: {  	[sflag:s25] =	ssyncset.done $0x0  }
0x32: {  	[sflag:s25] =	ssyncadd.s32 $0xFFFFC000  }
0x33: {  	[hbm4b:s11+s2] =	stream.linear.scatter [tilespmem:s18], [sflag:$0x7], $0x4000, $0x38;
	[tilespmem:$0x13400] =	vst v63  }
0x34: {  	_ =	swait.ge [sflag:s26], $0x4000  }
0x35: {  	[sflag:s26] =	ssyncset.done $0x0  }
0x36: {  	s19 =	simm.s32 $0x300;
	[sflag:s26] =	ssyncadd.s32 $0xFFFFC000  }
0x37: {  	[tilespmem:s18], [sflag:$0x3] =	stream.indirect.gather [hbm4b:s3+s14], $0x80, s19, s14, $0xb8;
	[tilespmem:$0x13400] =	vst v63  }
0x38: {  	_ =	swait.ge [sflag:s28], $0x4000  }
0x39: {  	[sflag:s28] =	ssyncset.done $0x0  }
0x3a: {  	[sflag:s28] =	ssyncadd.s32 $0xFFFFC000  }
0x3b: {  	[hbm4b:s10+s2] =	stream.linear.scatter [tilespmem:s20], [sflag:$0x8], $0x4000, $0x38;
	[tilespmem:$0x13400] =	vst v63  }
0x3c: {  	s31 =	simm.s32 $0x800;
	_ =	swait.ge [sflag:s29], $0x4000  }
0x3d: {  	s0 =	sadd.s32 $0x2000, s11;
	s1 =	sadd.s32 $0x2000, s12;
	[sflag:s29] =	ssyncset.done $0x0  }
0x3e: {  	s17 =	sadd.s32 $0x2000, s10;
	s19 =	simm.s32 $0x380;
	[sflag:s29] =	ssyncadd.s32 $0xFFFFC000  }
.LBB2_2:
0x3f: {  	[tilespmem:s20], [sflag:$0x4] =	stream.indirect.gather [hbm4b:s3+s14], $0x80, s19, s14, $0xb8;
	[tilespmem:$0x13400] =	vst v63  }
0x40: {  	s19 =	smov.u32 s31  }
0x41: {  	p0 =	sne.s32 s31, $0xC000;
	s31 =	sadd.s32 $0x800, s31;
	_ =	swait.ge [sflag:s21], $0x4000  }
0x42: {  	[sflag:s21] =	ssyncset.done $0x0  }
0x43: {  	[sflag:s21] =	ssyncadd.s32 $0xFFFFC000  }
0x44: {  	[hbm4b:s1+s2] =	stream.linear.scatter [tilespmem:s15], [sflag:$0x5], $0x4000, $0x38;
	[tilespmem:$0x13400] =	vst v63  }
0x45: {  	_ =	swait.ge [sflag:s22], $0x4000  }
0x46: {  	s19 =	sshra.s32 s19, $0x2;
	[sflag:s22] =	ssyncset.done $0x0  }
0x47: {  	s4 =	sadd.s32 $0x200, s19;
	[sflag:s22] =	ssyncadd.s32 $0xFFFFC000  }
0x48: {  	[tilespmem:s15], [sflag:$0x1] =	stream.indirect.gather [hbm4b:s3+s14], $0x80, s4, s14, $0xb8;
	[tilespmem:$0x13400] =	vst v63  }
0x49: {  	_ =	swait.ge [sflag:s23], $0x4000  }
0x4a: {  	[sflag:s23] =	ssyncset.done $0x0  }
0x4b: {  	s4 =	sadd.s32 $0xFFFFF000, s17;
	[sflag:s23] =	ssyncadd.s32 $0xFFFFC000  }
0x4c: {  	[hbm4b:s4+s2] =	stream.linear.scatter [tilespmem:s16], [sflag:$0x6], $0x4000, $0x38;
	[tilespmem:$0x13400] =	vst v63  }
0x4d: {  	_ =	swait.ge [sflag:s24], $0x4000  }
0x4e: {  	[sflag:s24] =	ssyncset.done $0x0  }
0x4f: {  	s4 =	sadd.s32 $0x280, s19;
	[sflag:s24] =	ssyncadd.s32 $0xFFFFC000  }
0x50: {  	[tilespmem:s16], [sflag:$0x2] =	stream.indirect.gather [hbm4b:s3+s14], $0x80, s4, s14, $0xb8;
	[tilespmem:$0x13400] =	vst v63  }
0x51: {  	_ =	swait.ge [sflag:s25], $0x4000  }
0x52: {  	[sflag:s25] =	ssyncset.done $0x0  }
0x53: {  	[sflag:s25] =	ssyncadd.s32 $0xFFFFC000  }
0x54: {  	[hbm4b:s0+s2] =	stream.linear.scatter [tilespmem:s18], [sflag:$0x7], $0x4000, $0x38;
	[tilespmem:$0x13400] =	vst v63  }
0x55: {  	_ =	swait.ge [sflag:s26], $0x4000  }
0x56: {  	[sflag:s26] =	ssyncset.done $0x0  }
0x57: {  	s4 =	sadd.s32 $0x300, s19;
	[sflag:s26] =	ssyncadd.s32 $0xFFFFC000  }
0x58: {  	[tilespmem:s18], [sflag:$0x3] =	stream.indirect.gather [hbm4b:s3+s14], $0x80, s4, s14, $0xb8;
	[tilespmem:$0x13400] =	vst v63  }
0x59: {  	_ =	swait.ge [sflag:s28], $0x4000  }
0x5a: {  	[sflag:s28] =	ssyncset.done $0x0  }
.Ltmp0:
0x5b: {  	[sflag:s28] =	ssyncadd.s32 $0xFFFFC000;
	(pc) =	sbr.rel @p0 .LBB2_2-.Ltmp0, $4  }
0x5c: {  	[hbm4b:s17+s2] =	stream.linear.scatter [tilespmem:s20], [sflag:$0x8], $0x4000, $0x38;
	[tilespmem:$0x13400] =	vst v63  }
0x5d: {  	_ =	swait.ge [sflag:s29], $0x4000  }
0x5e: {  	s1 =	sadd.s32 $0x2000, s1;
	s0 =	sadd.s32 $0x2000, s0;
	[sflag:s29] =	ssyncset.done $0x0  }
0x5f: {  	s19 =	sadd.s32 $0x380, s19;
	s17 =	sadd.s32 $0x2000, s17;
	[sflag:s29] =	ssyncadd.s32 $0xFFFFC000  }
0x60: {  	[tilespmem:s20], [sflag:$0x4] =	stream.indirect.gather [hbm4b:s3+s14], $0x80, s19, s14, $0xb8;
	[tilespmem:$0x13400] =	vst v63  }
0x61: {  	_ =	swait.ge [sflag:s21], $0x4000  }
0x62: {  	[sflag:s21] =	ssyncset.done $0x0  }
0x63: {  	[sflag:s21] =	ssyncadd.s32 $0xFFFFC000  }
0x64: {  	[hbm4b:s5+s2] =	stream.linear.scatter [tilespmem:s15], [sflag:$0x5], $0x4000, $0x38;
	[tilespmem:$0x13400] =	vst v63  }
0x65: {  	_ =	swait.ge [sflag:s23], $0x4000  }
0x66: {  	[sflag:s23] =	ssyncset.done $0x0  }
0x67: {  	[sflag:s23] =	ssyncadd.s32 $0xFFFFC000  }
0x68: {  	[hbm4b:s6+s2] =	stream.linear.scatter [tilespmem:s16], [sflag:$0x6], $0x4000, $0x38;
	[tilespmem:$0x13400] =	vst v63  }
0x69: {  	_ =	swait.ge [sflag:s25], $0x4000  }
0x6a: {  	[sflag:s25] =	ssyncset.done $0x0  }
0x6b: {  	[sflag:s25] =	ssyncadd.s32 $0xFFFFC000  }
0x6c: {  	[hbm4b:s7+s2] =	stream.linear.scatter [tilespmem:s18], [sflag:$0x7], $0x4000, $0x38;
	[tilespmem:$0x13400] =	vst v63  }
0x6d: {  	_ =	swait.ge [sflag:s28], $0x4000  }
0x6e: {  	[sflag:s28] =	ssyncset.done $0x0  }
0x6f: {  	[sflag:s28] =	ssyncadd.s32 $0xFFFFC000  }
0x70: {  	[hbm4b:s8+s2] =	stream.linear.scatter [tilespmem:s20], [sflag:$0x8], $0x4000, $0x38;
	[tilespmem:$0x13400] =	vst v63  }
0x71: {  	_ =	swait.ge [sflag:s22], $0x4000  }
0x72: {  	[sflag:s22] =	ssyncset.done $0x0  }
0x73: {  	[sflag:s22] =	ssyncadd.s32 $0xFFFFC000  }
0x74: {  	_ =	swait.ge [sflag:s24], $0x4000  }
0x75: {  	[sflag:s24] =	ssyncset.done $0x0  }
0x76: {  	s30 =	sadd.s32 $0x1, s30;
	[sflag:s24] =	ssyncadd.s32 $0xFFFFC000  }
0x77: {  	p0 =	sne.s32 s30, s9;
	_ =	swait.ge [sflag:s26], $0x4000  }
.Ltmp1:
0x78: {  	[sflag:s26] =	ssyncset.done $0x0;
	(pc) =	sbr.rel @p0 .LBB2_1-.Ltmp1, $4  }
0x79: {  	[sflag:s26] =	ssyncadd.s32 $0xFFFFC000  }
0x7a: {  	_ =	swait.ge [sflag:s29], $0x4000  }
0x7b: {  	[sflag:s29] =	ssyncset.done $0x0  }
0x7c: {  	[sflag:s29] =	ssyncadd.s32 $0xFFFFC000  }
0x7d: {  	_ =	sfence.sel $0x180000  }
0x7e: {  	[bflag:$0x0] =	sbarrier.arrive $0xFFFF  }
0x7f: {  	_ =	strace $0x90000047  }
0x80: {  	s0 =	stileid.u32;
	[bflag:$0x2] =	sbarrier.arrive $0xFFFF  }
0x81: {  	p0 =	sne.s32 s0, $0x0;
	s0 =	rddreg [dreg:$0x2]  }
0x82: {  	s0 =	sadd.s32 @!p0 $0x100000, s0  }
0x83: {  	[sflag:s0] =	ssyncadd.tile.s32 @!p0 $0x1;
	_ =	shalt  }
.Lfunc_end2:
_tile_overlayer_lowered:
.L_overlay_start_2:
0x84: {  	(tag) =	ssettag $0x2  }
0x85: {  	s0 =	rddreg [dreg:$0x0];
	s2 =	stileid.u32  }
0x86: {  	s1 =	rddreg [dreg:$0x1];
	p0 =	sne.s32 s2, $0x0  }
0x87: {  	s3 =	rddreg [dreg:$0x2];
	[bflag:$0x3] =	sbarrier.arrive $0xFFFF;
	s2 =	simm.s32 @!p0 $0x1C09  }
0x88: {  	[timem:s3], [sflag:s2] =	dma.local @!p0 [hbm:s0], s1  }
0x89: {  	s0 =	simm.s32 @!p0 $0x9  }
0x8a: {  	_ =	swait.ge @!p0 [sflag:s0], s1  }
0x8b: {  	s1 =	ssub.s32 @!p0 $0x0, s1;
	[sflag:s0] =	ssyncset.done @!p0 $0x0  }
0x8c: {  	[sflag:s0] =	ssyncadd.s32 @!p0 s1  }
0x8d: {  	[bflag:$0x3] =	sbarrier.arrive $0xFFFF  }
0x8e: {  	_ =	shalt  }

// kernel: sparse-core-data-format-call.cloned.1.call-start
scs
called_computation_lowered:
.L_overlay_start_0:
0x0: {  	s2 =	sld [smem:$0x3FD9]  }
0x1: {  	s3 =	sld [smem:$0x3FFE];
	_ =	sdelay $0x1  }
0x2: {  	s1 =	srdreg.scid  }
0x3: {  	s0 =	sand.u32 $0x1, s1  }
0x4: {  	s18 =	sshll.u32 s0, $0xA;
	s2 =	sadd.s32 s3, s2  }
0x5: {  	s2 =	sadd.s32 s2, s18  }
0x6: {  	[smem:$0x3FC6] =	sst s2  }
0x7: {  	_ = 	snop  }
0x8: {  	s2 =	sld [smem:$0x3FD0];
	(tm) =	ssettm $0x1  }
0x9: {  	s19 =	sld [smem:$0x3FFB];
	_ =	sdelay $0x3  }
0xa: {  	_ =	strace s19  }
0xb: {  	s3 =	sld [smem:$0x3FFC];
	_ =	sdelay $0x3  }
0xc: {  	_ =	strace s3  }
0xd: {  	s3 =	sld [smem:$0x3FFD];
	_ =	sdelay $0x3  }
0xe: {  	_ =	strace s3  }
0xf: {  	_ =	strace $0x8FFFFFFF  }
0x10: {  	s20 =	sld [smem:$0x3FDB];
	_ =	sdelay $0x1  }
0x11: {  	s4 =	simm.s32 $_scs_section_size  }
0x12: {  	s5 =	simm.s32 $_size__tile_overlayer_lowered;
	s6 =	simm.s32 $_tile_overlayer_lowered  }
0x13: {  	s23 =	simm.s32 $0x1BFF;
	s22 =	sshll.u32 s6, $0x1;
	s3 =	sadd.s32 s4, s20  }
0x14: {  	s7 =	simm.s32 $0x0;
	s21 =	sshll.u32 s5, $0x1;
	s5 =	sadd.s32 s22, s3  }
0x15: {  	[timem:s7], [sflag:s23] =	dma.local [hbm:s5], s21  }
0x16: {  	_ =	swait.ge [sflag:s23], s21  }
0x17: {  	s4 =	ssub.s32 $0x0, s21;
	[sflag:s23] =	ssyncset.done $0x0  }
0x18: {  	[sflag:s23] =	ssyncadd.s32 s4;
	_ =	sdelay $0x1  }
0x19: {  	s24 =	simm.s32 $0x1B8B  }
0x1a: {  	_ =	swait.ge [sflag:s24], $0x1  }
0x1b: {  	[sflag:s24] =	ssyncset.done $0x0  }
0x1c: {  	s26 =	simm.s32 $0x1B8E;
	s25 =	sld [smem:$0x3FFE];
	[sflag:s24] =	ssyncadd.s32 $0xFFFFFFFF  }
0x1d: {  	s27 =	simm.s32 $execute0_lowered;
	[smem:$0x3FD2] =	sst s26  }
0x1e: {  	s5 =	sshll.u32 s27, $0x1;
	_ =	strace $0x80000049;
	[dreg:$0x1] =	wrdreg $0xFFFFFFFF  }
0x1f: {  	s28 =	simm.s32 $_size_execute0_lowered;
	s3 =	sadd.s32 s3, s5;
	[dreg:$0x0] =	wrdreg $0x0  }
0x20: {  	s5 =	sshll.u32 s28, $0x1;
	[dreg:$0x2] =	wrdreg s3  }
0x21: {  	[dreg:$0x3] =	wrdreg s5  }
0x22: {  	[dreg:$0x4] =	wrdreg $0xC0  }
0x23: {  	_ =	task [dreg:s7], $0x5FFFF  }
0x24: {  	[dreg:$0x1] =	wrdreg $0xFFFFFFFF  }
0x25: {  	[dreg:$0x0] =	wrdreg $0x60  }
0x26: {  	[dreg:$0x2] =	wrdreg s25  }
0x27: {  	[dreg:$0x3] =	wrdreg s2  }
0x28: {  	[dreg:$0x4] =	wrdreg $0x9  }
0x29: {  	_ =	task.clear_ibuf [dreg:s7], $0x5FFFF;
	_ =	strace $0x90000049  }
0x2a: {  	s29 =	simm.s32 $0x9;
	_ =	strace $0x8000004B  }
0x2b: {  	_ =	swait.ge [sflag:s29], $0x1  }
0x2c: {  	[sflag:s29] =	ssyncadd.s32 $0xFFFFFFFF  }
0x2d: {  	_ =	strace $0x9000004B  }
0x2e: {  	_ =	sfence  }
0x2f: {  	s30 =	sld [smem:$0x0];
	_ =	sdelay $0x2  }
0x30: {  	s31 =	sshll.u32 s1, $0xD;
	s1 =	sshrl.u32 s1, $0x2  }
0x31: {  	s3 =	sand.u32 $0x4000, s31;
	s1 =	sadd.s32 s1, s30  }
0x32: {  	s0 =	sor.u32 s3, s0;
	s1 =	sshll.u32 s1, $0x11  }
0x33: {  	s0 =	sor.u32 s1, s0  }
0x34: {  	s0 =	sadd.s32 $0x8F2B, s0  }
0x35: {  	[sflag:s0] =	ssyncadd.remote.s32 $0x1  }
0x36: {  	_ =	sfence.sel $0xFFFF  }
0x37: {  	[dreg:$0x0] =	wrdreg $0xFFFFFFFF;
	(pc) =	sbr.abs _section_cstart, $3  }
0x38: {  	[dreg:$0x1] =	wrdreg $0xFFFFFFFF  }
0x39: {  	_ =	task.clear_ibuf [dreg:s7], $0x2FFFF;
	_ =	strace $0x9FFFFFFF  }
0x3a: {  	(tm) =	ssettm $0x7FFFFFFF  }
0x3b: {  	_ =	shalt  }
tec
execute0_lowered:
.L_overlay_start_1:
0x0: {  	(tag) =	ssettag $0x1  }
0x1: {  	s0 =	srdreg.scid  }
0x2: {  	s1 =	sshll.u32 s0, $0x4  }
0x3: {  	s0 =	stileid.u32;
	s1 =	sand.u32 $0x10, s1  }
0x4: {  	s7 =	rddreg [dreg:$0x0];
	s1 =	sor.u32 s0, s1  }
0x5: {  	s4 =	simm.s32 $0x1;
	s8 =	simm.s32 $0x2;
	s2 =	sshll.u32 s1, $0x7  }
0x6: {  	s13 =	simm.s32 $0x0;
	s9 =	simm.s32 $0x20000;
	s1 =	ssub.s32 $0x4000, s2  }
0x7: {  	s14 =	simm.s32 $0x0;
	s11 =	simm.s32 $0x0;
	s3 =	sand.u32 $0xF80, s1  }
0x8: {  	s12 =	simm.s32 $0x0;
	s5 =	sshrl.u32 s1, $0xC;
	p0 =	sne.s32 s3, $0x0  }
.Ltmp0:
0x9: {  	s1 =	rddreg [dreg:$0x2];
	s4 =	simm.s32 @!p0 $0x0;
	(pc) =	sbr.rel .LBB1_1-.Ltmp0, $4  }
0xa: {  	s6 =	sadd.s32 $0xA00, s7;
	s3 =	rddreg [dreg:$0x1];
	s5 =	sadd.s32 s4, s5  }
0xb: {  	_ =	strace $0x8000004A;
	s4 =	simm.s32 $0x1;
	s5 =	smul.u32 $0xD, s5  }
0xc: {  	s7 =	sadd.s32 $0x40A00, s7;
	s10 =	smov.u32 s2;
	[sflag:s4] =	ssyncpa.u1 $0x0  }
0xd: {  	p0 =	por $0x0, $0x0;
	[sflag:s8] =	ssyncpa.u1 $0x0;
	s8 =	sadd.s32 $0x1, s5  }
.LBB1_7:
0xe: {  	s15 =	sadd.s32 $0x1000, s10  }
0xf: {  	s13 =	sadd.s32 $0x2, s11;
	s17 =	smov.u32 s11;
	p2 =	sgt.s32 s15, $0x3FFF  }
0x10: {  	s17 =	smov.u32 @p2 s13  }
0x11: {  	s15 =	smov.u32 @p2 s2;
	p2 =	sgt.s32 s17, $0x19  }
0x12: {  	s17 =	simm.s32 @p2 $0x0;
	p2 =	sne.s32 s12, s8  }
.Ltmp1:
0x13: {  	p1 =	slt.u32 s12, $0x2;
	(pc) =	sbr.rel @!p2 .LBB1_8-.Ltmp1, $4  }
0x14: {  	s16 =	simm.s32 @!p1 $0x2  }
0x15: {  	s14 =	smov.u32 s11;
	p0 =	por !p0, !p0;
	_ =	swait.ge @!p1 [sflag:s16], $0x4000  }
0x16: {  	s13 =	smov.u32 s10;
	[sflag:s16] =	ssyncset.done @!p1 $0x0;
	s10 =	smov.u32 s15  }
0x17: {  	s12 =	sadd.s32 $0x1, s12;
	[sflag:s16] =	ssyncadd.s32 @!p1 $0xFFFFC000;
	s11 =	smov.u32 s17  }
.LBB1_1:
0x18: {  	p1 =	sge.u32 s12, s5  }
0x19: {  	s15 =	sxor.u32 @!p1 $0xFFFFFFFF, s12;
	s16 =	sshll.u32 @!p1 s11, $0x12  }
0x1a: {  	s17 =	sshll.u32 @!p1 s10, $0x4;
	s19 =	simm.s32 @!p1 $0x40;
	s20 =	simm.s32 @!p1 $0x80  }
0x1b: {  	s15 =	sshll.u32 @!p1 s15, $0xE;
	s17 =	sand.u32 @!p1 $0x3FFF0, s17;
	s18 =	sadd.s32 @!p1 s6, s16  }
0x1c: {  	s16 =	sadd.s32 @!p1 s16, s7;
	s15 =	sand.u32 @!p1 $0x4000, s15;
	s18 =	sadd.s32 @!p1 s17, s18  }
0x1d: {  	[tilespmem:s15], [sflag:$0x1] =	stream.strided.gather @!p1 [hbm4b:s18+s19], $0x2000, s20, s19, $0x38;
	[tilespmem:$0x10100] =	vst v63  }
0x1e: {  	s31 =	sadd.s32 $0xFFFFFFFF, s12;
	s16 =	sadd.s32 @!p1 s17, s16;
	s15 =	sor.u32 @!p1 $0x2000, s15  }
0x1f: {  	[tilespmem:s15], [sflag:$0x1] =	stream.strided.gather @!p1 [hbm4b:s16+s19], $0x2000, s20, s19, $0x38;
	[tilespmem:$0x10100] =	vst v63  }
0x20: {  	p1 =	sge.u32 s31, s5  }
.Ltmp2:
0x21: {  	_ = 	snop;
	(pc) =	sbr.rel @p1 .LBB1_7-.Ltmp2, $1  }
0x22: {  	_ =	sdelay $0x3  }
0x23: {  	s15 =	simm.s32 $0x1;
	s17 =	sand.u32 $0x1, s12  }
0x24: {  	_ =	swait.ge [sflag:s4], $0x4000;
	s15 =	simm.s32 @!p0 $0x0;
	s17 =	smul.u32 $0x10200, s17  }
0x25: {  	p2 =	por $0x1, $0x1;
	[sflag:s4] =	ssyncset.done $0x0;
	s16 =	smul.u32 $0x10200, s15  }
0x26: {  	s18 =	sshll.u32 s15, $0x10;
	[sflag:s4] =	ssyncadd.s32 $0xFFFFC000;
	s30 =	sshrl.u32 s17, $0x2  }
0x27: {  	s31 =	sshrl.u32 s18, $0x2;
	s18 =	simm.s32 $0x0;
	s16 =	sshrl.u32 s16, $0x2  }
0x28: {  	s15 =	sor.u32 $0x8000, s30;
	s17 =	sadd.s32 $0x20, s31;
	s16 =	sor.u32 $0x8000, s16  }
.LBB1_3:
0x29: {  	s19 =	sshll.u32 s18, $0xD  }
0x2a: {  	s19 =	sand.u32 $0x3FFFE000, s19  }
0x2b: {  	s21 =	sadd.s32 s19, s17  }
0x2c: {  	s31 =	smul.u32 $0x8100, s18;
	v3 =	vld [tilespmem:s21+$0x10]  }
0x2d: {  	v1 =	vld [tilespmem:s21+$0xFFFFFFF0]  }
0x2e: {  	s18 =	sshra.s32 s31, $0x2;
	v0 =	vld [tilespmem:s21+$0x0]  }
0x2f: {  	s18 =	sadd.s32 s18, s16;
	v2 =	vld [tilespmem:s21+$0xFFFFFFE0]  }
0x30: {  	s19 =	sadd.s32 $0x0, s18  }
0x31: {  	p1 =	por p2, p2;
	s20 =	simm.s32 $0x4;
	s21 =	sadd.s32 $0x40, s21;
	[tilespmem:s19+$0x1830 ss:$0x81] =	vst.msk $0xffff, v3  }
.LBB1_4:
0x32: {  	v3 =	vld [tilespmem:s21+$0x10];
	p2 =	sne.s32 s20, $0x1FC;
	[tilespmem:s19+$0x810 ss:$0x81] =	vst.msk $0xffff, v1;
	s22 =	smov.u32 s20;
	s20 =	sadd.s32 $0x4, s20  }
.Ltmp3:
0x33: {  	v1 =	vld [tilespmem:s21+$0xFFFFFFF0];
	[tilespmem:s19+$0x1020 ss:$0x81] =	vst.msk $0xffff, v0;
	(pc) =	sbr.rel @p2 .LBB1_4-.Ltmp3, $4  }
0x34: {  	v0 =	vld [tilespmem:s21+$0x0];
	[tilespmem:s19+$0x0 ss:$0x81] =	vst.msk $0xffff, v2  }
0x35: {  	s19 =	sshra.s32 s22, $0x2;
	v2 =	vld [tilespmem:s21+$0xFFFFFFE0]  }
0x36: {  	s19 =	sadd.s32 s19, s18  }
0x37: {  	s21 =	sadd.s32 $0x40, s21;
	[tilespmem:s19+$0x1830 ss:$0x81] =	vst.msk $0xffff, v3  }
.Ltmp4:
0x38: {  	(pc) =	sbr.rel @p1 .LBB1_3-.Ltmp4, $4  }
0x39: {  	_ = 	snop  }
0x3a: {  	[tilespmem:s19+$0x810 ss:$0x81] =	vst.msk $0xffff, v1  }
0x3b: {  	[tilespmem:s19+$0x1020 ss:$0x81] =	vst.msk $0xffff, v0  }
0x3c: {  	s18 =	simm.s32 $0x1;
	p2 =	por $0x0, $0x0;
	[tilespmem:s19+$0x0 ss:$0x81] =	vst.msk $0xffff, v2  }
0x3d: {  	s16 =	sshll.u32 s13, $0x3;
	s17 =	sand.u32 $0x78, s13;
	s14 =	sshll.u32 s14, $0x11  }
.Ltmp5:
0x3e: {  	s30 =	sand.u32 $0x1F800, s13;
	s16 =	sand.u32 $0x3C00, s16;
	(pc) =	sbr.rel .LBB1_7-.Ltmp5, $4  }
0x3f: {  	s31 =	sand.u32 $0x7, s13;
	s14 =	sadd.s32 s3, s14;
	s16 =	sor.u32 s17, s16  }
0x40: {  	s13 =	sshll.u32 s31, $0x12;
	s14 =	sadd.s32 s30, s14;
	s16 =	sshrl.u32 s16, $0x3  }
0x41: {  	s13 =	sor.u32 $0x400, s13;
	s14 =	sadd.s32 s16, s14  }
0x42: {  	[hbm4b:s14+s13] =	stream.strided.scatter [tilespmem:s15], [sflag:$0x2], $0x4000, s9, s13, $0x20;
	[tilespmem:$0x10100] =	vst v63  }
.LBB1_8:
0x43: {  	_ =	sfence.sel $0x180000  }
0x44: {  	s2 =	simm.s32 $0x1;
	[bflag:$0x0] =	sbarrier.arrive $0xFFFF  }
0x45: {  	s31 =	simm.s32 $0x2;
	[sflag:s2] =	ssyncpa.u1 $0x1  }
0x46: {  	[sflag:s31] =	ssyncpa.u1 $0x1  }
0x47: {  	p0 =	sne.s32 s0, $0x0;
	_ =	strace $0x9000004A  }
0x48: {  	s0 =	sadd.s32 @!p0 $0x100000, s1;
	[bflag:$0x2] =	sbarrier.arrive $0xFFFF  }
0x49: {  	[sflag:s0] =	ssyncadd.tile.s32 @!p0 $0x1;
	_ =	shalt  }
.Lfunc_end1:
_tile_overlayer_lowered:
.L_overlay_start_2:
0x4a: {  	(tag) =	ssettag $0x2  }
0x4b: {  	s0 =	rddreg [dreg:$0x0];
	s2 =	stileid.u32  }
0x4c: {  	s1 =	rddreg [dreg:$0x1];
	p0 =	sne.s32 s2, $0x0  }
0x4d: {  	s3 =	rddreg [dreg:$0x2];
	[bflag:$0x3] =	sbarrier.arrive $0xFFFF;
	s2 =	simm.s32 @!p0 $0x1C01  }
0x4e: {  	[timem:s3], [sflag:s2] =	dma.local @!p0 [hbm:s0], s1  }
0x4f: {  	s0 =	simm.s32 @!p0 $0x1  }
0x50: {  	_ =	swait.ge @!p0 [sflag:s0], s1  }
0x51: {  	s1 =	ssub.s32 @!p0 $0x0, s1;
	[sflag:s0] =	ssyncset.done @!p0 $0x0  }
0x52: {  	[sflag:s0] =	ssyncadd.s32 @!p0 s1  }
0x53: {  	[bflag:$0x3] =	sbarrier.arrive $0xFFFF  }
0x54: {  	_ =	shalt  }

</sc_bundles>
